<compile_context>
chip_gen: v7x
topology: tpu7x:2x2x1
jax: 0.10.2.dev20260603
libtpu: 0.0.44.dev20260713+nightly
codegen_flags: <defaults>
</compile_context>

<pallas_src>
import functools

import jax
import jax.numpy as jnp
from jax import lax
from jax.experimental import pallas as pl
from jax.experimental.pallas import tpu as pltpu
from jax.experimental.pallas import tpu_sc as plsc

N = 50000
N_PAD = 50176
BN = 1024
E = 800000
E_PAD = 819200
CHUNK = 128
NG = 16
GW = 128 // NG
CHUNKS_TOTAL = E_PAD // CHUNK
CHUNKS_PER_TILE = CHUNKS_TOTAL // 32
CHUNKS_PER_TILE2 = CHUNKS_TOTAL // 16
ROWS_PER_TILE = N_PAD // 16

_sc_mesh = plsc.VectorSubcoreMesh(core_axis_name="c", subcore_axis_name="s")


def _sc1_body(xaug_hbm, src_hbm, dst_hbm, zeros_hbm, out_hbm,
              src_v, dst_v, gbuf, acc_sh, sem):
    c = lax.axis_index("c")
    s = lax.axis_index("s")
    wid = s * 2 + c
    pltpu.sync_copy(src_hbm.at[pl.ds(wid * CHUNKS_PER_TILE, CHUNKS_PER_TILE)],
                    src_v)
    pltpu.sync_copy(dst_hbm.at[pl.ds(wid * CHUNKS_PER_TILE, CHUNKS_PER_TILE)],
                    dst_v)
    pltpu.sync_copy(zeros_hbm.at[pl.ds(0, ROWS_PER_TILE)],
                    acc_sh.at[pl.ds(s * ROWS_PER_TILE, ROWS_PER_TILE)])
    plsc.subcore_barrier()

    def body(j, carry):
        pltpu.async_copy(xaug_hbm.at[src_v.at[j]], gbuf, sem).wait()
        pltpu.sync_copy(gbuf, acc_sh.at[dst_v.at[j]], add=True)
        return carry

    lax.fori_loop(0, CHUNKS_PER_TILE, body, 0)
    plsc.subcore_barrier()
    pltpu.sync_copy(acc_sh.at[pl.ds(s * ROWS_PER_TILE, ROWS_PER_TILE)],
                    out_hbm.at[c].at[pl.ds(s * ROWS_PER_TILE, ROWS_PER_TILE)])


_sc_phase1 = functools.partial(
    pl.kernel,
    out_type=jax.ShapeDtypeStruct((2, N_PAD, 16), jnp.float32),
    mesh=_sc_mesh,
    compiler_params=pltpu.CompilerParams(use_tc_tiling_on_sc=False),
    scratch_types=[
        pltpu.VMEM((CHUNKS_PER_TILE, CHUNK), jnp.int32),
        pltpu.VMEM((CHUNKS_PER_TILE, CHUNK), jnp.int32),
        pltpu.VMEM((CHUNK, 16), jnp.float32),
        pltpu.VMEM_SHARED((N_PAD, 16), jnp.float32),
        pltpu.SemaphoreType.DMA,
    ],
)(_sc1_body)



def _sc2_body(h16_hbm, srcg_hbm, dst_hbm, zeros_hbm, out_hbm,
              src_v, dst_v, gbuf, acc_sh, sem):
    c = lax.axis_index("c")
    s = lax.axis_index("s")
    row0 = s * ROWS_PER_TILE

    def group_body(gi, gcarry):
        g = c * (NG // 2) + gi
        pltpu.sync_copy(
            srcg_hbm.at[pl.ds(g * CHUNKS_TOTAL + s * CHUNKS_PER_TILE2,
                              CHUNKS_PER_TILE2)],
            src_v)
        pltpu.sync_copy(
            dst_hbm.at[pl.ds(g * CHUNKS_TOTAL + s * CHUNKS_PER_TILE2,
                             CHUNKS_PER_TILE2)],
            dst_v)
        pltpu.sync_copy(zeros_hbm, acc_sh.at[pl.ds(row0, ROWS_PER_TILE)])
        plsc.subcore_barrier()

        def body(j, carry):
            pltpu.async_copy(h16_hbm.at[src_v.at[j]], gbuf, sem).wait()
            pltpu.sync_copy(gbuf, acc_sh.at[dst_v.at[j]], add=True)
            return carry

        lax.fori_loop(0, CHUNKS_PER_TILE2, body, 0)
        plsc.subcore_barrier()
        pltpu.sync_copy(acc_sh.at[pl.ds(row0, ROWS_PER_TILE)],
                        out_hbm.at[pl.ds(g * N_PAD + row0, ROWS_PER_TILE)])
        plsc.subcore_barrier()
        return gcarry

    lax.fori_loop(0, NG // 2, group_body, 0)


_sc_phase2 = functools.partial(
    pl.kernel,
    out_type=jax.ShapeDtypeStruct((NG * N_PAD, GW), jnp.float32),
    mesh=_sc_mesh,
    compiler_params=pltpu.CompilerParams(use_tc_tiling_on_sc=False),
    scratch_types=[
        pltpu.VMEM((CHUNKS_PER_TILE2, CHUNK), jnp.int32),
        pltpu.VMEM((CHUNKS_PER_TILE2, CHUNK), jnp.int32),
        pltpu.VMEM((CHUNK, GW), jnp.float32),
        pltpu.VMEM_SHARED((N_PAD, GW), jnp.float32),
        pltpu.SemaphoreType.DMA,
    ],
)(_sc2_body)



def _hb_body(x_ref, p0_ref, p1_ref, w0l_ref, b0l_ref, w0r_ref,
             h16_ref, h_ref, invd_ref):
    p0 = p0_ref[...]
    p1 = p1_ref[...]
    deg = p0[:, 0:1] + p1[:, 0:1]
    s1 = p0[:, 1:2] + p1[:, 1:2]
    invd = 1.0 / jnp.maximum(deg, 1.0)
    a = s1 * invd
    x = x_ref[...]
    pre = a * w0l_ref[...] + x * w0r_ref[...] + b0l_ref[...]
    h = jnp.maximum(pre, 0.0) + x
    invd_ref[...] = invd
    h_ref[...] = h
    for g in range(NG):
        h16_ref[g, :, :] = h[:, g * GW:(g + 1) * GW]


def _make_h(x_p, part, W0l, b0l, W0r):
    grid = (N_PAD // BN,)
    return pl.pallas_call(
        _hb_body,
        grid=grid,
        in_specs=[
            pl.BlockSpec((BN, 1), lambda i: (i, 0)),
            pl.BlockSpec((BN, 16), lambda i: (i, 0)),
            pl.BlockSpec((BN, 16), lambda i: (i, 0)),
            pl.BlockSpec((1, 128), lambda i: (0, 0)),
            pl.BlockSpec((1, 128), lambda i: (0, 0)),
            pl.BlockSpec((1, 128), lambda i: (0, 0)),
        ],
        out_specs=[
            pl.BlockSpec((NG, BN, GW), lambda i: (0, i, 0)),
            pl.BlockSpec((BN, 128), lambda i: (i, 0)),
            pl.BlockSpec((BN, 1), lambda i: (i, 0)),
        ],
        out_shape=[
            jax.ShapeDtypeStruct((NG, N_PAD, GW), jnp.float32),
            jax.ShapeDtypeStruct((N_PAD, 128), jnp.float32),
            jax.ShapeDtypeStruct((N_PAD, 1), jnp.float32),
        ],
    )(x_p, part[0], part[1], W0l, b0l.reshape(1, 128), W0r)



def _tail_body(agg2_ref, invd_ref, h_ref, batch_ref,
               w1l_ref, b1l_ref, w1r_ref,
               fc1w_ref, fc1b_ref, fc2w_ref, fc2b_ref,
               out_ref, psum_ref, pcnt_ref):
    i = pl.program_id(0)
    nb = pl.num_programs(0)

    @pl.when(i == 0)
    def _init():
        psum_ref[...] = jnp.zeros_like(psum_ref)
        pcnt_ref[...] = jnp.zeros_like(pcnt_ref)

    h = h_ref[...]
    aggd = agg2_ref[...] * invd_ref[...]
    pre = (jax.lax.dot(aggd, w1l_ref[...], preferred_element_type=jnp.float32)
           + b1l_ref[...]
           + jax.lax.dot(h, w1r_ref[...], preferred_element_type=jnp.float32))
    h2 = jnp.maximum(pre, 0.0) + h

    b = batch_ref[...]
    gids = jax.lax.broadcasted_iota(jnp.int32, (1, 64), 1)
    onehot = jnp.where(b == gids, 1.0, 0.0)
    psum_ref[...] += jax.lax.dot_general(
        onehot, h2, (((0,), (0,)), ((), ())),
        preferred_element_type=jnp.float32,
        precision=jax.lax.Precision.HIGHEST)
    pcnt_ref[...] += jax.lax.dot_general(
        onehot, jnp.ones_like(h2), (((0,), (0,)), ((), ())),
        preferred_element_type=jnp.float32,
        precision=jax.lax.Precision.HIGHEST)

    @pl.when(i == nb - 1)
    def _fin():
        pooled = psum_ref[...] / jnp.maximum(pcnt_ref[...], 1.0)
        z = jnp.maximum(
            jax.lax.dot(pooled, fc1w_ref[...],
                        preferred_element_type=jnp.float32) + fc1b_ref[...],
            0.0)
        out_ref[...] = (jax.lax.dot(z, fc2w_ref[...],
                                    preferred_element_type=jnp.float32)
                        + fc2b_ref[...])


def _tail(agg2_p, invd_p, h_p, batch_p, W1l, b1l, W1r, fc1_W, fc1_b,
          fc2_W, fc2_b):
    grid = (N_PAD // BN,)
    return pl.pallas_call(
        _tail_body,
        grid=grid,
        in_specs=[
            pl.BlockSpec((BN, 128), lambda i: (i, 0)),
            pl.BlockSpec((BN, 1), lambda i: (i, 0)),
            pl.BlockSpec((BN, 128), lambda i: (i, 0)),
            pl.BlockSpec((BN, 1), lambda i: (i, 0)),
            pl.BlockSpec((128, 128), lambda i: (0, 0)),
            pl.BlockSpec((1, 128), lambda i: (0, 0)),
            pl.BlockSpec((128, 128), lambda i: (0, 0)),
            pl.BlockSpec((128, 64), lambda i: (0, 0)),
            pl.BlockSpec((1, 64), lambda i: (0, 0)),
            pl.BlockSpec((64, 1), lambda i: (0, 0)),
            pl.BlockSpec((1, 1), lambda i: (0, 0)),
        ],
        out_specs=pl.BlockSpec((64, 1), lambda i: (0, 0)),
        out_shape=jax.ShapeDtypeStruct((64, 1), jnp.float32),
        scratch_shapes=[
            pltpu.VMEM((64, 128), jnp.float32),
            pltpu.VMEM((64, 128), jnp.float32),
        ],
    )(agg2_p, invd_p, h_p, batch_p, W1l, b1l.reshape(1, 128), W1r,
      fc1_W, fc1_b.reshape(1, 64), fc2_W, fc2_b.reshape(1, 1))


def kernel(x, edge_index, batch, W0l, b0l, W0r, W1l, b1l, W1r,
           fc1_W, fc1_b, fc2_W, fc2_b):
    n = x.shape[0]
    src = edge_index[0]
    dst = edge_index[1]
    epad = E_PAD - src.shape[0]
    src_p = jnp.pad(src, (0, epad))
    dst_p = jnp.pad(dst, (0, epad), constant_values=N)
    dst2d = dst_p.reshape(CHUNKS_TOTAL, CHUNK)
    src2d = src_p.reshape(CHUNKS_TOTAL, CHUNK)
    xaug = jnp.concatenate(
        [jnp.ones((n, 1), jnp.float32), x, jnp.zeros((n, 14), jnp.float32)],
        axis=1)
    zeros8 = jnp.zeros((ROWS_PER_TILE, 8), jnp.float32)
    zeros16 = jnp.zeros((ROWS_PER_TILE, 16), jnp.float32)

    part = _sc_phase1(xaug, src2d, dst2d, zeros16)

    pad = N_PAD - n
    x_p = jnp.pad(x, ((0, pad), (0, 0)))
    batch_p = jnp.pad(batch.reshape(n, 1), ((0, pad), (0, 0)),
                      constant_values=64)

    h16, h_p, invd_p = _make_h(x_p, part, W0l, b0l, W0r)

    srcg = (src2d[None, :, :]
            + (jnp.arange(NG, dtype=jnp.int32) * N_PAD)[:, None, None]
            ).reshape(NG * CHUNKS_TOTAL, CHUNK)
    dstg = jnp.broadcast_to(
        dst2d[None], (NG, CHUNKS_TOTAL, CHUNK)
    ).reshape(NG * CHUNKS_TOTAL, CHUNK)
    agg = _sc_phase2(h16.reshape(NG * N_PAD, GW), srcg, dstg, zeros8)
    agg2_p = (agg.reshape(NG, N_PAD, GW)
              .transpose(1, 0, 2)
              .reshape(N_PAD, 128))

    return _tail(agg2_p, invd_p, h_p, batch_p, W1l, b1l, W1r,
                 fc1_W, fc1_b, fc2_W, fc2_b)

# --- scband reference (transcript-rebuilt; emitter-appended) ---
"""Pipeline reference for scband-graph-sage-25537875542171 (READ-ONLY COPY).

The authoritative reference and input builder live on the scoring server;
editing this copy changes nothing except your own understanding.
"""

import jax, jax.numpy as jnp
import numpy as np

N = 50000
E = 800000
G = 64
H = 128


def setup_inputs(seed: int = 0) -> dict:
    key = jax.random.key(seed)
    ks = jax.random.split(key, 12)
    s = 0.05
    x = jax.random.normal(ks[0], (N, 1), dtype=jnp.float32)
    edge_index = jax.random.randint(ks[1], (2, E), 0, N, dtype=jnp.int32)
    batch = jnp.sort(jax.random.randint(ks[2], (N,), 0, G, dtype=jnp.int32))
    # SAGEConv params: lin_l (neighbor aggregation, with bias), lin_r (root, no bias)
    W0l = jax.random.normal(ks[3], (1, H), dtype=jnp.float32) * s
    b0l = jnp.zeros((H,), dtype=jnp.float32)
    W0r = jax.random.normal(ks[4], (1, H), dtype=jnp.float32) * s
    W1l = jax.random.normal(ks[5], (H, H), dtype=jnp.float32) * s
    b1l = jnp.zeros((H,), dtype=jnp.float32)
    W1r = jax.random.normal(ks[6], (H, H), dtype=jnp.float32) * s
    fc1_W = jax.random.normal(ks[7], (H, H // 2), dtype=jnp.float32) * s
    fc1_b = jnp.zeros((H // 2,), dtype=jnp.float32)
    fc2_W = jax.random.normal(ks[8], (H // 2, 1), dtype=jnp.float32) * s
    fc2_b = jnp.zeros((1,), dtype=jnp.float32)
    return {"x": x, "edge_index": edge_index, "batch": batch,
            "W0l": W0l, "b0l": b0l, "W0r": W0r,
            "W1l": W1l, "b1l": b1l, "W1r": W1r,
            "fc1_W": fc1_W, "fc1_b": fc1_b, "fc2_W": fc2_W, "fc2_b": fc2_b}


def _sage_conv(x, src, dst, Wl, bl, Wr, n):
    # mean aggregation of neighbor messages (gather by src, scatter-add by dst)
    msgs = x[src]
    agg = jax.ops.segment_sum(msgs, dst, num_segments=n)
    cnt = jax.ops.segment_sum(jnp.ones((src.shape[0], 1), dtype=jnp.float32), dst, num_segments=n)
    agg = agg / jnp.maximum(cnt, 1.0)
    return agg @ Wl + bl + x @ Wr


def reference(x, edge_index, batch, W0l, b0l, W0r, W1l, b1l, W1r, fc1_W, fc1_b, fc2_W, fc2_b):
    src = edge_index[0]
    dst = edge_index[1]
    n = x.shape[0]
    # layer 1 (dropout is identity in eval mode); residual broadcasts [N,1] -> [N,H]
    h = jax.nn.relu(_sage_conv(x, src, dst, W0l, b0l, W0r, n)) + x
    # layer 2
    h = jax.nn.relu(_sage_conv(h, src, dst, W1l, b1l, W1r, n)) + h
    # global mean pool over graphs
    psum = jax.ops.segment_sum(h, batch, num_segments=G)
    pcnt = jax.ops.segment_sum(jnp.ones((n, 1), dtype=jnp.float32), batch, num_segments=G)
    pooled = psum / jnp.maximum(pcnt, 1.0)
    z = jax.nn.relu(pooled @ fc1_W + fc1_b)
    return z @ fc2_W + fc2_b

if __name__ == "__main__":
    import jax
    _d = setup_inputs()
    print(jax.jit(kernel)(*tuple(_d.values())))

</pallas_src>

<mosaic_0001>
#map = affine_map<(d0, d1) -> (0, 0)>
#map1 = affine_map<(d0, d1) -> (0, 0, 0)>
module attributes {stable_mosaic.version = 14 : i64} {
  func.func @_sc1_body(%arg0: i32, %arg1: i32, %arg2: memref<50000x16xf32, #tpu.memory_space<hbm>>, %arg3: memref<6400x128xi32, #tpu.memory_space<hbm>>, %arg4: memref<6400x128xi32, #tpu.memory_space<hbm>>, %arg5: memref<3136x16xf32, #tpu.memory_space<hbm>>, %arg6: memref<2x50176x16xf32, #tpu.memory_space<hbm>>, %arg7: memref<200x128xi32, #tpu.memory_space<vmem>>, %arg8: memref<200x128xi32, #tpu.memory_space<vmem>>, %arg9: memref<128x16xf32, #tpu.memory_space<vmem>>, %arg10: memref<50176x16xf32, #tpu.memory_space<vmem_shared>>, %arg11: memref<!tpu.dma_semaphore, #tpu.memory_space<semaphore_mem>>) attributes {dimension_semantics = [#tpu.dimension_semantics<core_parallel>, #tpu.dimension_semantics<subcore_parallel>], iteration_bounds = array<i64: 2, 16>, scalar_prefetch = 0 : i64, scratch_operands = 5 : i64, tpu.core_type = #tpu.core_type<sc_vector_subcore>, window_params = [{transform_indices = #map}, {transform_indices = #map}, {transform_indices = #map}, {transform_indices = #map}, {transform_indices = #map1}]} {
    %mul3A = arith.constant 2 : i32
    %mul3A_0 = arith.muli %arg1, %mul3A : i32
    %add3A = arith.addi %mul3A_0, %arg0 : i32
    %mul3A_1 = arith.constant 200 : i32
    %mul3A_2 = arith.muli %add3A, %mul3A_1 : i32
    "tpu.region"() ({
      %run_scoped3A = tpu.sem_alloc : memref<!tpu.dma_semaphore, #tpu.memory_space<semaphore_mem>>
      %dma_start3A = arith.constant 0 : i32
      %dma_start3A_17 = tpu.memref_slice %arg3[%mul3A_2, %dma_start3A] : memref<6400x128xi32, #tpu.memory_space<hbm>> -> memref<200x128xi32, #tpu.memory_space<hbm>>
      %dma_start3A_18 = arith.constant 0 : i32
      %dma_start3A_19 = tpu.memref_slice %arg3[%mul3A_2, %dma_start3A_18] : memref<6400x128xi32, #tpu.memory_space<hbm>> -> memref<200x128xi32, #tpu.memory_space<hbm>>
      tpu.enqueue_dma source(%dma_start3A_19 : memref<200x128xi32, #tpu.memory_space<hbm>>) target(%arg7 : memref<200x128xi32, #tpu.memory_space<vmem>>) target_semaphore(%run_scoped3A : memref<!tpu.dma_semaphore, #tpu.memory_space<semaphore_mem>>)
      %dma_wait3A = arith.constant 0 : i32
      %dma_wait3A_20 = tpu.memref_slice %arg3[%mul3A_2, %dma_wait3A] : memref<6400x128xi32, #tpu.memory_space<hbm>> -> memref<200x128xi32, #tpu.memory_space<hbm>>
      %dma_wait3A_21 = arith.constant 0 : i32
      %dma_wait3A_22 = tpu.memref_slice %arg3[%mul3A_2, %dma_wait3A_21] : memref<6400x128xi32, #tpu.memory_space<hbm>> -> memref<200x128xi32, #tpu.memory_space<hbm>>
      tpu.wait_dma2 semaphore(%run_scoped3A : memref<!tpu.dma_semaphore, #tpu.memory_space<semaphore_mem>>) src(%dma_wait3A_22 : memref<200x128xi32, #tpu.memory_space<hbm>>) dst(%arg7 : memref<200x128xi32, #tpu.memory_space<vmem>>)
      tpu.yield
    }) : () -> ()
    %mul3A_3 = arith.constant 200 : i32
    %mul3A_4 = arith.muli %add3A, %mul3A_3 : i32
    "tpu.region"() ({
      %run_scoped3A = tpu.sem_alloc : memref<!tpu.dma_semaphore, #tpu.memory_space<semaphore_mem>>
      %dma_start3A = arith.constant 0 : i32
      %dma_start3A_17 = tpu.memref_slice %arg4[%mul3A_4, %dma_start3A] : memref<6400x128xi32, #tpu.memory_space<hbm>> -> memref<200x128xi32, #tpu.memory_space<hbm>>
      %dma_start3A_18 = arith.constant 0 : i32
      %dma_start3A_19 = tpu.memref_slice %arg4[%mul3A_4, %dma_start3A_18] : memref<6400x128xi32, #tpu.memory_space<hbm>> -> memref<200x128xi32, #tpu.memory_space<hbm>>
      tpu.enqueue_dma source(%dma_start3A_19 : memref<200x128xi32, #tpu.memory_space<hbm>>) target(%arg8 : memref<200x128xi32, #tpu.memory_space<vmem>>) target_semaphore(%run_scoped3A : memref<!tpu.dma_semaphore, #tpu.memory_space<semaphore_mem>>)
      %dma_wait3A = arith.constant 0 : i32
      %dma_wait3A_20 = tpu.memref_slice %arg4[%mul3A_4, %dma_wait3A] : memref<6400x128xi32, #tpu.memory_space<hbm>> -> memref<200x128xi32, #tpu.memory_space<hbm>>
      %dma_wait3A_21 = arith.constant 0 : i32
      %dma_wait3A_22 = tpu.memref_slice %arg4[%mul3A_4, %dma_wait3A_21] : memref<6400x128xi32, #tpu.memory_space<hbm>> -> memref<200x128xi32, #tpu.memory_space<hbm>>
      tpu.wait_dma2 semaphore(%run_scoped3A : memref<!tpu.dma_semaphore, #tpu.memory_space<semaphore_mem>>) src(%dma_wait3A_22 : memref<200x128xi32, #tpu.memory_space<hbm>>) dst(%arg8 : memref<200x128xi32, #tpu.memory_space<vmem>>)
      tpu.yield
    }) : () -> ()
    %mul3A_5 = arith.constant 3136 : i32
    %mul3A_6 = arith.muli %arg1, %mul3A_5 : i32
    "tpu.region"() ({
      %run_scoped3A = tpu.sem_alloc : memref<!tpu.dma_semaphore, #tpu.memory_space<semaphore_mem>>
      %dma_start3A = arith.constant 0 : i32
      %dma_start3A_17 = tpu.memref_slice %arg10[%mul3A_6, %dma_start3A] : memref<50176x16xf32, #tpu.memory_space<vmem_shared>> -> memref<3136x16xf32, #tpu.memory_space<vmem_shared>>
      %dma_start3A_18 = arith.constant 0 : i32
      %dma_start3A_19 = arith.constant 0 : i32
      %dma_start3A_20 = tpu.memref_slice %arg5[%dma_start3A_18, %dma_start3A_19] : memref<3136x16xf32, #tpu.memory_space<hbm>> -> memref<3136x16xf32, #tpu.memory_space<hbm>>
      tpu.enqueue_dma source(%dma_start3A_20 : memref<3136x16xf32, #tpu.memory_space<hbm>>) target(%dma_start3A_17 : memref<3136x16xf32, #tpu.memory_space<vmem_shared>>) target_semaphore(%run_scoped3A : memref<!tpu.dma_semaphore, #tpu.memory_space<semaphore_mem>>)
      %dma_wait3A = arith.constant 0 : i32
      %dma_wait3A_21 = tpu.memref_slice %arg10[%mul3A_6, %dma_wait3A] : memref<50176x16xf32, #tpu.memory_space<vmem_shared>> -> memref<3136x16xf32, #tpu.memory_space<vmem_shared>>
      %dma_wait3A_22 = arith.constant 0 : i32
      %dma_wait3A_23 = arith.constant 0 : i32
      %dma_wait3A_24 = tpu.memref_slice %arg5[%dma_wait3A_22, %dma_wait3A_23] : memref<3136x16xf32, #tpu.memory_space<hbm>> -> memref<3136x16xf32, #tpu.memory_space<hbm>>
      tpu.wait_dma2 semaphore(%run_scoped3A : memref<!tpu.dma_semaphore, #tpu.memory_space<semaphore_mem>>) src(%dma_wait3A_24 : memref<3136x16xf32, #tpu.memory_space<hbm>>) dst(%dma_wait3A_21 : memref<3136x16xf32, #tpu.memory_space<vmem_shared>>)
      tpu.yield
    }) : () -> ()
    %barrier3A = arith.constant 0 : index
    tpu.barrier barrier_id(%barrier3A)
    %scan3A = arith.constant 0 : i32
    %scan3A_7 = arith.constant 0 : i32
    %scan3A_8 = arith.constant 200 : i32
    %scan3A_9 = arith.addi %scan3A_7, %scan3A_8 : i32
    %scan3A_10 = arith.constant 1 : i32
    scf.for %scan3A_17 = %scan3A_7 to %scan3A_9 step %scan3A_10  : i32 {
      %dma_start3A = arith.constant 0 : i32
      %dma_start3A_18 = tpu.memref_slice %arg7[%scan3A_17, %dma_start3A] : memref<200x128xi32, #tpu.memory_space<vmem>> -> memref<1x128xi32, #tpu.memory_space<vmem>>
      %dma_start3A_19 = tpu.memref_squeeze %dma_start3A_18 : memref<1x128xi32, #tpu.memory_space<vmem>> -> memref<128xi32, #tpu.memory_space<vmem>>
      %dma_start3A_20 = arith.constant 0 : i32
      %dma_start3A_21 = arith.constant 0 : i32
      %dma_start3A_22 = tpu.memref_slice %arg2[%dma_start3A_20, %dma_start3A_21] : memref<50000x16xf32, #tpu.memory_space<hbm>> -> memref<50000x16xf32, #tpu.memory_space<hbm>>
      tpu.enqueue_indirect_dma source(%dma_start3A_22 : memref<50000x16xf32, #tpu.memory_space<hbm>>) target(%arg9 : memref<128x16xf32, #tpu.memory_space<vmem>>) offsets(%dma_start3A_19 : memref<128xi32, #tpu.memory_space<vmem>>) semaphore(%arg11 : memref<!tpu.dma_semaphore, #tpu.memory_space<semaphore_mem>>)
      %dma_wait3A = arith.constant 0 : i32
      %dma_wait3A_23 = tpu.memref_slice %arg7[%scan3A_17, %dma_wait3A] : memref<200x128xi32, #tpu.memory_space<vmem>> -> memref<1x128xi32, #tpu.memory_space<vmem>>
      %dma_wait3A_24 = tpu.memref_squeeze %dma_wait3A_23 : memref<1x128xi32, #tpu.memory_space<vmem>> -> memref<128xi32, #tpu.memory_space<vmem>>
      %dma_wait3A_25 = arith.constant 0 : i32
      %dma_wait3A_26 = arith.constant 0 : i32
      %dma_wait3A_27 = tpu.memref_slice %arg2[%dma_wait3A_25, %dma_wait3A_26] : memref<50000x16xf32, #tpu.memory_space<hbm>> -> memref<50000x16xf32, #tpu.memory_space<hbm>>
      tpu.wait_indirect_dma semaphore(%arg11 : memref<!tpu.dma_semaphore, #tpu.memory_space<semaphore_mem>>) src(%dma_wait3A_27 : memref<50000x16xf32, #tpu.memory_space<hbm>>) dst(%arg9 : memref<128x16xf32, #tpu.memory_space<vmem>>)
      "tpu.region"() ({
        %run_scoped3A = tpu.sem_alloc : memref<!tpu.dma_semaphore, #tpu.memory_space<semaphore_mem>>
        %dma_start3A_28 = arith.constant 0 : i32
        %dma_start3A_29 = tpu.memref_slice %arg8[%scan3A_17, %dma_start3A_28] : memref<200x128xi32, #tpu.memory_space<vmem>> -> memref<1x128xi32, #tpu.memory_space<vmem>>
        %dma_start3A_30 = tpu.memref_squeeze %dma_start3A_29 : memref<1x128xi32, #tpu.memory_space<vmem>> -> memref<128xi32, #tpu.memory_space<vmem>>
        %dma_start3A_31 = arith.constant 0 : i32
        %dma_start3A_32 = arith.constant 0 : i32
        %dma_start3A_33 = tpu.memref_slice %arg10[%dma_start3A_31, %dma_start3A_32] : memref<50176x16xf32, #tpu.memory_space<vmem_shared>> -> memref<50176x16xf32, #tpu.memory_space<vmem_shared>>
        tpu.enqueue_indirect_dma source(%arg9 : memref<128x16xf32, #tpu.memory_space<vmem>>) target(%dma_start3A_33 : memref<50176x16xf32, #tpu.memory_space<vmem_shared>>) offsets(%dma_start3A_30 : memref<128xi32, #tpu.memory_space<vmem>>) semaphore(%run_scoped3A : memref<!tpu.dma_semaphore, #tpu.memory_space<semaphore_mem>>) {add = true}
        %dma_wait3A_34 = arith.constant 0 : i32
        %dma_wait3A_35 = tpu.memref_slice %arg8[%scan3A_17, %dma_wait3A_34] : memref<200x128xi32, #tpu.memory_space<vmem>> -> memref<1x128xi32, #tpu.memory_space<vmem>>
        %dma_wait3A_36 = tpu.memref_squeeze %dma_wait3A_35 : memref<1x128xi32, #tpu.memory_space<vmem>> -> memref<128xi32, #tpu.memory_space<vmem>>
        %dma_wait3A_37 = arith.constant 0 : i32
        %dma_wait3A_38 = arith.constant 0 : i32
        %dma_wait3A_39 = tpu.memref_slice %arg10[%dma_wait3A_37, %dma_wait3A_38] : memref<50176x16xf32, #tpu.memory_space<vmem_shared>> -> memref<50176x16xf32, #tpu.memory_space<vmem_shared>>
        tpu.wait_indirect_dma semaphore(%run_scoped3A : memref<!tpu.dma_semaphore, #tpu.memory_space<semaphore_mem>>) src(%arg9 : memref<128x16xf32, #tpu.memory_space<vmem>>) dst(%dma_wait3A_39 : memref<50176x16xf32, #tpu.memory_space<vmem_shared>>)
        tpu.yield
      }) : () -> ()
    }
    %scan3A_11 = arith.constant 200 : i32
    %barrier3A_12 = arith.constant 0 : index
    tpu.barrier barrier_id(%barrier3A_12)
    %mul3A_13 = arith.constant 3136 : i32
    %mul3A_14 = arith.muli %arg1, %mul3A_13 : i32
    %mul3A_15 = arith.constant 3136 : i32
    %mul3A_16 = arith.muli %arg1, %mul3A_15 : i32
    "tpu.region"() ({
      %run_scoped3A = tpu.sem_alloc : memref<!tpu.dma_semaphore, #tpu.memory_space<semaphore_mem>>
      %dma_start3A = arith.constant 0 : i32
      %dma_start3A_17 = arith.constant 0 : i32
      %dma_start3A_18 = tpu.memref_slice %arg6[%arg0, %dma_start3A, %dma_start3A_17] : memref<2x50176x16xf32, #tpu.memory_space<hbm>> -> memref<1x50176x16xf32, #tpu.memory_space<hbm>>
      %dma_start3A_19 = tpu.memref_squeeze %dma_start3A_18 : memref<1x50176x16xf32, #tpu.memory_space<hbm>> -> memref<50176x16xf32, #tpu.memory_space<hbm>>
      %dma_start3A_20 = arith.constant 0 : i32
      %dma_start3A_21 = tpu.memref_slice %dma_start3A_19[%mul3A_16, %dma_start3A_20] : memref<50176x16xf32, #tpu.memory_space<hbm>> -> memref<3136x16xf32, #tpu.memory_space<hbm>>
      %dma_start3A_22 = arith.constant 0 : i32
      %dma_start3A_23 = tpu.memref_slice %arg10[%mul3A_14, %dma_start3A_22] : memref<50176x16xf32, #tpu.memory_space<vmem_shared>> -> memref<3136x16xf32, #tpu.memory_space<vmem_shared>>
      tpu.enqueue_dma source(%dma_start3A_23 : memref<3136x16xf32, #tpu.memory_space<vmem_shared>>) target(%dma_start3A_21 : memref<3136x16xf32, #tpu.memory_space<hbm>>) target_semaphore(%run_scoped3A : memref<!tpu.dma_semaphore, #tpu.memory_space<semaphore_mem>>)
      %dma_wait3A = arith.constant 0 : i32
      %dma_wait3A_24 = arith.constant 0 : i32
      %dma_wait3A_25 = tpu.memref_slice %arg6[%arg0, %dma_wait3A, %dma_wait3A_24] : memref<2x50176x16xf32, #tpu.memory_space<hbm>> -> memref<1x50176x16xf32, #tpu.memory_space<hbm>>
      %dma_wait3A_26 = tpu.memref_squeeze %dma_wait3A_25 : memref<1x50176x16xf32, #tpu.memory_space<hbm>> -> memref<50176x16xf32, #tpu.memory_space<hbm>>
      %dma_wait3A_27 = arith.constant 0 : i32
      %dma_wait3A_28 = tpu.memref_slice %dma_wait3A_26[%mul3A_16, %dma_wait3A_27] : memref<50176x16xf32, #tpu.memory_space<hbm>> -> memref<3136x16xf32, #tpu.memory_space<hbm>>
      %dma_wait3A_29 = arith.constant 0 : i32
      %dma_wait3A_30 = tpu.memref_slice %arg10[%mul3A_14, %dma_wait3A_29] : memref<50176x16xf32, #tpu.memory_space<vmem_shared>> -> memref<3136x16xf32, #tpu.memory_space<vmem_shared>>
      tpu.wait_dma2 semaphore(%run_scoped3A : memref<!tpu.dma_semaphore, #tpu.memory_space<semaphore_mem>>) src(%dma_wait3A_30 : memref<3136x16xf32, #tpu.memory_space<vmem_shared>>) dst(%dma_wait3A_28 : memref<3136x16xf32, #tpu.memory_space<hbm>>)
      tpu.yield
    }) : () -> ()
    return
  }
}

#map = affine_map<(d0, d1) -> (0, 0)>
module attributes {stable_mosaic.version = 14 : i64} {
  func.func @_sc2_body(%arg0: i32, %arg1: i32, %arg2: memref<802816x8xf32, #tpu.memory_space<hbm>>, %arg3: memref<102400x128xi32, #tpu.memory_space<hbm>>, %arg4: memref<102400x128xi32, #tpu.memory_space<hbm>>, %arg5: memref<3136x8xf32, #tpu.memory_space<hbm>>, %arg6: memref<802816x8xf32, #tpu.memory_space<hbm>>, %arg7: memref<400x128xi32, #tpu.memory_space<vmem>>, %arg8: memref<400x128xi32, #tpu.memory_space<vmem>>, %arg9: memref<128x8xf32, #tpu.memory_space<vmem>>, %arg10: memref<50176x8xf32, #tpu.memory_space<vmem_shared>>, %arg11: memref<!tpu.dma_semaphore, #tpu.memory_space<semaphore_mem>>) attributes {dimension_semantics = [#tpu.dimension_semantics<core_parallel>, #tpu.dimension_semantics<subcore_parallel>], iteration_bounds = array<i64: 2, 16>, scalar_prefetch = 0 : i64, scratch_operands = 5 : i64, tpu.core_type = #tpu.core_type<sc_vector_subcore>, window_params = [{transform_indices = #map}, {transform_indices = #map}, {transform_indices = #map}, {transform_indices = #map}, {transform_indices = #map}]} {
    %mul3A = arith.constant 3136 : i32
    %mul3A_0 = arith.muli %arg1, %mul3A : i32
    %scan3A = arith.constant 0 : i32
    %scan3A_1 = arith.constant 0 : i32
    %scan3A_2 = arith.constant 8 : i32
    %scan3A_3 = arith.addi %scan3A_1, %scan3A_2 : i32
    %scan3A_4 = arith.constant 1 : i32
    scf.for %scan3A_6 = %scan3A_1 to %scan3A_3 step %scan3A_4  : i32 {
      %mul3A_7 = arith.constant 8 : i32
      %mul3A_8 = arith.muli %arg0, %mul3A_7 : i32
      %add3A = arith.addi %mul3A_8, %scan3A_6 : i32
      %mul3A_9 = arith.constant 6400 : i32
      %mul3A_10 = arith.muli %add3A, %mul3A_9 : i32
      %mul3A_11 = arith.constant 400 : i32
      %mul3A_12 = arith.muli %arg1, %mul3A_11 : i32
      %add3A_13 = arith.addi %mul3A_10, %mul3A_12 : i32
      "tpu.region"() ({
        %run_scoped3A = tpu.sem_alloc : memref<!tpu.dma_semaphore, #tpu.memory_space<semaphore_mem>>
        %dma_start3A = arith.constant 0 : i32
        %dma_start3A_30 = tpu.memref_slice %arg3[%add3A_13, %dma_start3A] : memref<102400x128xi32, #tpu.memory_space<hbm>> -> memref<400x128xi32, #tpu.memory_space<hbm>>
        %dma_start3A_31 = arith.constant 0 : i32
        %dma_start3A_32 = tpu.memref_slice %arg3[%add3A_13, %dma_start3A_31] : memref<102400x128xi32, #tpu.memory_space<hbm>> -> memref<400x128xi32, #tpu.memory_space<hbm>>
        tpu.enqueue_dma source(%dma_start3A_32 : memref<400x128xi32, #tpu.memory_space<hbm>>) target(%arg7 : memref<400x128xi32, #tpu.memory_space<vmem>>) target_semaphore(%run_scoped3A : memref<!tpu.dma_semaphore, #tpu.memory_space<semaphore_mem>>)
        %dma_wait3A = arith.constant 0 : i32
        %dma_wait3A_33 = tpu.memref_slice %arg3[%add3A_13, %dma_wait3A] : memref<102400x128xi32, #tpu.memory_space<hbm>> -> memref<400x128xi32, #tpu.memory_space<hbm>>
        %dma_wait3A_34 = arith.constant 0 : i32
        %dma_wait3A_35 = tpu.memref_slice %arg3[%add3A_13, %dma_wait3A_34] : memref<102400x128xi32, #tpu.memory_space<hbm>> -> memref<400x128xi32, #tpu.memory_space<hbm>>
        tpu.wait_dma2 semaphore(%run_scoped3A : memref<!tpu.dma_semaphore, #tpu.memory_space<semaphore_mem>>) src(%dma_wait3A_35 : memref<400x128xi32, #tpu.memory_space<hbm>>) dst(%arg7 : memref<400x128xi32, #tpu.memory_space<vmem>>)
        tpu.yield
      }) : () -> ()
      %mul3A_14 = arith.constant 6400 : i32
      %mul3A_15 = arith.muli %add3A, %mul3A_14 : i32
      %mul3A_16 = arith.constant 400 : i32
      %mul3A_17 = arith.muli %arg1, %mul3A_16 : i32
      %add3A_18 = arith.addi %mul3A_15, %mul3A_17 : i32
      "tpu.region"() ({
        %run_scoped3A = tpu.sem_alloc : memref<!tpu.dma_semaphore, #tpu.memory_space<semaphore_mem>>
        %dma_start3A = arith.constant 0 : i32
        %dma_start3A_30 = tpu.memref_slice %arg4[%add3A_18, %dma_start3A] : memref<102400x128xi32, #tpu.memory_space<hbm>> -> memref<400x128xi32, #tpu.memory_space<hbm>>
        %dma_start3A_31 = arith.constant 0 : i32
        %dma_start3A_32 = tpu.memref_slice %arg4[%add3A_18, %dma_start3A_31] : memref<102400x128xi32, #tpu.memory_space<hbm>> -> memref<400x128xi32, #tpu.memory_space<hbm>>
        tpu.enqueue_dma source(%dma_start3A_32 : memref<400x128xi32, #tpu.memory_space<hbm>>) target(%arg8 : memref<400x128xi32, #tpu.memory_space<vmem>>) target_semaphore(%run_scoped3A : memref<!tpu.dma_semaphore, #tpu.memory_space<semaphore_mem>>)
        %dma_wait3A = arith.constant 0 : i32
        %dma_wait3A_33 = tpu.memref_slice %arg4[%add3A_18, %dma_wait3A] : memref<102400x128xi32, #tpu.memory_space<hbm>> -> memref<400x128xi32, #tpu.memory_space<hbm>>
        %dma_wait3A_34 = arith.constant 0 : i32
        %dma_wait3A_35 = tpu.memref_slice %arg4[%add3A_18, %dma_wait3A_34] : memref<102400x128xi32, #tpu.memory_space<hbm>> -> memref<400x128xi32, #tpu.memory_space<hbm>>
        tpu.wait_dma2 semaphore(%run_scoped3A : memref<!tpu.dma_semaphore, #tpu.memory_space<semaphore_mem>>) src(%dma_wait3A_35 : memref<400x128xi32, #tpu.memory_space<hbm>>) dst(%arg8 : memref<400x128xi32, #tpu.memory_space<vmem>>)
        tpu.yield
      }) : () -> ()
      "tpu.region"() ({
        %run_scoped3A = tpu.sem_alloc : memref<!tpu.dma_semaphore, #tpu.memory_space<semaphore_mem>>
        %dma_start3A = arith.constant 0 : i32
        %dma_start3A_30 = tpu.memref_slice %arg10[%mul3A_0, %dma_start3A] : memref<50176x8xf32, #tpu.memory_space<vmem_shared>> -> memref<3136x8xf32, #tpu.memory_space<vmem_shared>>
        tpu.enqueue_dma source(%arg5 : memref<3136x8xf32, #tpu.memory_space<hbm>>) target(%dma_start3A_30 : memref<3136x8xf32, #tpu.memory_space<vmem_shared>>) target_semaphore(%run_scoped3A : memref<!tpu.dma_semaphore, #tpu.memory_space<semaphore_mem>>)
        %dma_wait3A = arith.constant 0 : i32
        %dma_wait3A_31 = tpu.memref_slice %arg10[%mul3A_0, %dma_wait3A] : memref<50176x8xf32, #tpu.memory_space<vmem_shared>> -> memref<3136x8xf32, #tpu.memory_space<vmem_shared>>
        tpu.wait_dma2 semaphore(%run_scoped3A : memref<!tpu.dma_semaphore, #tpu.memory_space<semaphore_mem>>) src(%arg5 : memref<3136x8xf32, #tpu.memory_space<hbm>>) dst(%dma_wait3A_31 : memref<3136x8xf32, #tpu.memory_space<vmem_shared>>)
        tpu.yield
      }) : () -> ()
      %barrier3A = arith.constant 0 : index
      tpu.barrier barrier_id(%barrier3A)
      %scan3A_19 = arith.constant 0 : i32
      %scan3A_20 = arith.constant 0 : i32
      %scan3A_21 = arith.constant 400 : i32
      %scan3A_22 = arith.addi %scan3A_20, %scan3A_21 : i32
      %scan3A_23 = arith.constant 1 : i32
      scf.for %scan3A_30 = %scan3A_20 to %scan3A_22 step %scan3A_23  : i32 {
        %dma_start3A = arith.constant 0 : i32
        %dma_start3A_31 = tpu.memref_slice %arg7[%scan3A_30, %dma_start3A] : memref<400x128xi32, #tpu.memory_space<vmem>> -> memref<1x128xi32, #tpu.memory_space<vmem>>
        %dma_start3A_32 = tpu.memref_squeeze %dma_start3A_31 : memref<1x128xi32, #tpu.memory_space<vmem>> -> memref<128xi32, #tpu.memory_space<vmem>>
        %dma_start3A_33 = arith.constant 0 : i32
        %dma_start3A_34 = arith.constant 0 : i32
        %dma_start3A_35 = tpu.memref_slice %arg2[%dma_start3A_33, %dma_start3A_34] : memref<802816x8xf32, #tpu.memory_space<hbm>> -> memref<802816x8xf32, #tpu.memory_space<hbm>>
        tpu.enqueue_indirect_dma source(%dma_start3A_35 : memref<802816x8xf32, #tpu.memory_space<hbm>>) target(%arg9 : memref<128x8xf32, #tpu.memory_space<vmem>>) offsets(%dma_start3A_32 : memref<128xi32, #tpu.memory_space<vmem>>) semaphore(%arg11 : memref<!tpu.dma_semaphore, #tpu.memory_space<semaphore_mem>>)
        %dma_wait3A = arith.constant 0 : i32
        %dma_wait3A_36 = tpu.memref_slice %arg7[%scan3A_30, %dma_wait3A] : memref<400x128xi32, #tpu.memory_space<vmem>> -> memref<1x128xi32, #tpu.memory_space<vmem>>
        %dma_wait3A_37 = tpu.memref_squeeze %dma_wait3A_36 : memref<1x128xi32, #tpu.memory_space<vmem>> -> memref<128xi32, #tpu.memory_space<vmem>>
        %dma_wait3A_38 = arith.constant 0 : i32
        %dma_wait3A_39 = arith.constant 0 : i32
        %dma_wait3A_40 = tpu.memref_slice %arg2[%dma_wait3A_38, %dma_wait3A_39] : memref<802816x8xf32, #tpu.memory_space<hbm>> -> memref<802816x8xf32, #tpu.memory_space<hbm>>
        tpu.wait_indirect_dma semaphore(%arg11 : memref<!tpu.dma_semaphore, #tpu.memory_space<semaphore_mem>>) src(%dma_wait3A_40 : memref<802816x8xf32, #tpu.memory_space<hbm>>) dst(%arg9 : memref<128x8xf32, #tpu.memory_space<vmem>>)
        "tpu.region"() ({
          %run_scoped3A = tpu.sem_alloc : memref<!tpu.dma_semaphore, #tpu.memory_space<semaphore_mem>>
          %dma_start3A_41 = arith.constant 0 : i32
          %dma_start3A_42 = tpu.memref_slice %arg8[%scan3A_30, %dma_start3A_41] : memref<400x128xi32, #tpu.memory_space<vmem>> -> memref<1x128xi32, #tpu.memory_space<vmem>>
          %dma_start3A_43 = tpu.memref_squeeze %dma_start3A_42 : memref<1x128xi32, #tpu.memory_space<vmem>> -> memref<128xi32, #tpu.memory_space<vmem>>
          %dma_start3A_44 = arith.constant 0 : i32
          %dma_start3A_45 = arith.constant 0 : i32
          %dma_start3A_46 = tpu.memref_slice %arg10[%dma_start3A_44, %dma_start3A_45] : memref<50176x8xf32, #tpu.memory_space<vmem_shared>> -> memref<50176x8xf32, #tpu.memory_space<vmem_shared>>
          tpu.enqueue_indirect_dma source(%arg9 : memref<128x8xf32, #tpu.memory_space<vmem>>) target(%dma_start3A_46 : memref<50176x8xf32, #tpu.memory_space<vmem_shared>>) offsets(%dma_start3A_43 : memref<128xi32, #tpu.memory_space<vmem>>) semaphore(%run_scoped3A : memref<!tpu.dma_semaphore, #tpu.memory_space<semaphore_mem>>) {add = true}
          %dma_wait3A_47 = arith.constant 0 : i32
          %dma_wait3A_48 = tpu.memref_slice %arg8[%scan3A_30, %dma_wait3A_47] : memref<400x128xi32, #tpu.memory_space<vmem>> -> memref<1x128xi32, #tpu.memory_space<vmem>>
          %dma_wait3A_49 = tpu.memref_squeeze %dma_wait3A_48 : memref<1x128xi32, #tpu.memory_space<vmem>> -> memref<128xi32, #tpu.memory_space<vmem>>
          %dma_wait3A_50 = arith.constant 0 : i32
          %dma_wait3A_51 = arith.constant 0 : i32
          %dma_wait3A_52 = tpu.memref_slice %arg10[%dma_wait3A_50, %dma_wait3A_51] : memref<50176x8xf32, #tpu.memory_space<vmem_shared>> -> memref<50176x8xf32, #tpu.memory_space<vmem_shared>>
          tpu.wait_indirect_dma semaphore(%run_scoped3A : memref<!tpu.dma_semaphore, #tpu.memory_space<semaphore_mem>>) src(%arg9 : memref<128x8xf32, #tpu.memory_space<vmem>>) dst(%dma_wait3A_52 : memref<50176x8xf32, #tpu.memory_space<vmem_shared>>)
          tpu.yield
        }) : () -> ()
      }
      %scan3A_24 = arith.constant 400 : i32
      %barrier3A_25 = arith.constant 0 : index
      tpu.barrier barrier_id(%barrier3A_25)
      %mul3A_26 = arith.constant 50176 : i32
      %mul3A_27 = arith.muli %add3A, %mul3A_26 : i32
      %add3A_28 = arith.addi %mul3A_27, %mul3A_0 : i32
      "tpu.region"() ({
        %run_scoped3A = tpu.sem_alloc : memref<!tpu.dma_semaphore, #tpu.memory_space<semaphore_mem>>
        %dma_start3A = arith.constant 0 : i32
        %dma_start3A_30 = tpu.memref_slice %arg6[%add3A_28, %dma_start3A] : memref<802816x8xf32, #tpu.memory_space<hbm>> -> memref<3136x8xf32, #tpu.memory_space<hbm>>
        %dma_start3A_31 = arith.constant 0 : i32
        %dma_start3A_32 = tpu.memref_slice %arg10[%mul3A_0, %dma_start3A_31] : memref<50176x8xf32, #tpu.memory_space<vmem_shared>> -> memref<3136x8xf32, #tpu.memory_space<vmem_shared>>
        tpu.enqueue_dma source(%dma_start3A_32 : memref<3136x8xf32, #tpu.memory_space<vmem_shared>>) target(%dma_start3A_30 : memref<3136x8xf32, #tpu.memory_space<hbm>>) target_semaphore(%run_scoped3A : memref<!tpu.dma_semaphore, #tpu.memory_space<semaphore_mem>>)
        %dma_wait3A = arith.constant 0 : i32
        %dma_wait3A_33 = tpu.memref_slice %arg6[%add3A_28, %dma_wait3A] : memref<802816x8xf32, #tpu.memory_space<hbm>> -> memref<3136x8xf32, #tpu.memory_space<hbm>>
        %dma_wait3A_34 = arith.constant 0 : i32
        %dma_wait3A_35 = tpu.memref_slice %arg10[%mul3A_0, %dma_wait3A_34] : memref<50176x8xf32, #tpu.memory_space<vmem_shared>> -> memref<3136x8xf32, #tpu.memory_space<vmem_shared>>
        tpu.wait_dma2 semaphore(%run_scoped3A : memref<!tpu.dma_semaphore, #tpu.memory_space<semaphore_mem>>) src(%dma_wait3A_35 : memref<3136x8xf32, #tpu.memory_space<vmem_shared>>) dst(%dma_wait3A_33 : memref<3136x8xf32, #tpu.memory_space<hbm>>)
        tpu.yield
      }) : () -> ()
      %barrier3A_29 = arith.constant 0 : index
      tpu.barrier barrier_id(%barrier3A_29)
    }
    %scan3A_5 = arith.constant 8 : i32
    return
  }
}

module attributes {stable_mosaic.version = 14 : i64} {
  func.func @_hb_body(%arg0: i32, %arg1: memref<1024x1xf32, #tpu.memory_space<vmem>>, %arg2: memref<1024x16xf32, #tpu.memory_space<vmem>>, %arg3: memref<1024x16xf32, #tpu.memory_space<vmem>>, %arg4: memref<1x128xf32, #tpu.memory_space<vmem>>, %arg5: memref<1x128xf32, #tpu.memory_space<vmem>>, %arg6: memref<1x128xf32, #tpu.memory_space<vmem>>, %arg7: memref<16x1024x8xf32, #tpu.memory_space<vmem>>, %arg8: memref<1024x128xf32, #tpu.memory_space<vmem>>, %arg9: memref<1024x1xf32, #tpu.memory_space<vmem>>) attributes {dimension_semantics = [#tpu.dimension_semantics<arbitrary>], iteration_bounds = array<i64: 49>, scalar_prefetch = 0 : i64, scratch_operands = 0 : i64, tpu.core_type = #tpu.core_type<tc>, window_params = [{transform_indices = @transform_0, window_bounds = array<i64: 1024, 1>}, {transform_indices = @transform_1, window_bounds = array<i64: 1024, 16>}, {transform_indices = @transform_2, window_bounds = array<i64: 1024, 16>}, {pipeline_mode = #tpu.pipeline_mode<synchronous>, transform_indices = @transform_3, window_bounds = array<i64: 1, 128>}, {pipeline_mode = #tpu.pipeline_mode<synchronous>, transform_indices = @transform_4, window_bounds = array<i64: 1, 128>}, {pipeline_mode = #tpu.pipeline_mode<synchronous>, transform_indices = @transform_5, window_bounds = array<i64: 1, 128>}, {transform_indices = @transform_6, window_bounds = array<i64: 16, 1024, 8>}, {transform_indices = @transform_7, window_bounds = array<i64: 1024, 128>}, {transform_indices = @transform_8, window_bounds = array<i64: 1024, 1>}]} {
    %get3A = arith.constant 0 : index
    %get3A_0 = arith.constant 0 : index
    %get3A_1 = vector.load %arg2[%get3A, %get3A_0] : memref<1024x16xf32, #tpu.memory_space<vmem>>, vector<1024x16xf32>
    %get3A_2 = arith.constant 0 : index
    %get3A_3 = arith.constant 0 : index
    %get3A_4 = vector.load %arg3[%get3A_2, %get3A_3] : memref<1024x16xf32, #tpu.memory_space<vmem>>, vector<1024x16xf32>
    %slice3A = vector.extract_strided_slice %get3A_1 {offsets = [0, 0], sizes = [1024, 1], strides = [1, 1]} : vector<1024x16xf32> to vector<1024x1xf32>
    %slice3A_5 = vector.extract_strided_slice %get3A_4 {offsets = [0, 0], sizes = [1024, 1], strides = [1, 1]} : vector<1024x16xf32> to vector<1024x1xf32>
    %add3A = arith.addf %slice3A, %slice3A_5 : vector<1024x1xf32>
    %slice3A_6 = vector.extract_strided_slice %get3A_1 {offsets = [0, 1], sizes = [1024, 1], strides = [1, 1]} : vector<1024x16xf32> to vector<1024x1xf32>
    %slice3A_7 = vector.extract_strided_slice %get3A_4 {offsets = [0, 1], sizes = [1024, 1], strides = [1, 1]} : vector<1024x16xf32> to vector<1024x1xf32>
    %add3A_8 = arith.addf %slice3A_6, %slice3A_7 : vector<1024x1xf32>
    %max3A = arith.constant 1.000000e+00 : f32
    %max3A_9 = vector.broadcast %max3A : f32 to vector<1024x1xf32>
    %max3A_10 = arith.maximumf %add3A, %max3A_9 : vector<1024x1xf32>
    %div3A = arith.constant 1.000000e+00 : f32
    %div3A_11 = vector.broadcast %div3A : f32 to vector<1024x1xf32>
    %div3A_12 = arith.divf %div3A_11, %max3A_10 : vector<1024x1xf32>
    %mul3A = arith.mulf %add3A_8, %div3A_12 : vector<1024x1xf32>
    %get3A_13 = arith.constant 0 : index
    %get3A_14 = arith.constant 0 : index
    %get3A_15 = vector.load %arg1[%get3A_13, %get3A_14] : memref<1024x1xf32, #tpu.memory_space<vmem>>, vector<1024x1xf32>
    %get3A_16 = arith.constant 0 : index
    %get3A_17 = arith.constant 0 : index
    %get3A_18 = vector.load %arg4[%get3A_16, %get3A_17] : memref<1x128xf32, #tpu.memory_space<vmem>>, vector<1x128xf32>
    %mul3A_19 = vector.broadcast %mul3A : vector<1024x1xf32> to vector<1024x128xf32>
    %mul3A_20 = vector.broadcast %get3A_18 : vector<1x128xf32> to vector<1024x128xf32>
    %mul3A_21 = arith.mulf %mul3A_19, %mul3A_20 : vector<1024x128xf32>
    %get3A_22 = arith.constant 0 : index
    %get3A_23 = arith.constant 0 : index
    %get3A_24 = vector.load %arg6[%get3A_22, %get3A_23] : memref<1x128xf32, #tpu.memory_space<vmem>>, vector<1x128xf32>
    %mul3A_25 = vector.broadcast %get3A_15 : vector<1024x1xf32> to vector<1024x128xf32>
    %mul3A_26 = vector.broadcast %get3A_24 : vector<1x128xf32> to vector<1024x128xf32>
    %mul3A_27 = arith.mulf %mul3A_25, %mul3A_26 : vector<1024x128xf32>
    %add3A_28 = arith.addf %mul3A_21, %mul3A_27 : vector<1024x128xf32>
    %get3A_29 = arith.constant 0 : index
    %get3A_30 = arith.constant 0 : index
    %get3A_31 = vector.load %arg5[%get3A_29, %get3A_30] : memref<1x128xf32, #tpu.memory_space<vmem>>, vector<1x128xf32>
    %add3A_32 = vector.broadcast %get3A_31 : vector<1x128xf32> to vector<1024x128xf32>
    %add3A_33 = arith.addf %add3A_28, %add3A_32 : vector<1024x128xf32>
    %max3A_34 = arith.constant 0.000000e+00 : f32
    %max3A_35 = vector.broadcast %max3A_34 : f32 to vector<1024x128xf32>
    %max3A_36 = arith.maximumf %add3A_33, %max3A_35 : vector<1024x128xf32>
    %add3A_37 = vector.broadcast %get3A_15 : vector<1024x1xf32> to vector<1024x128xf32>
    %add3A_38 = arith.addf %max3A_36, %add3A_37 : vector<1024x128xf32>
    %swap3A = arith.constant 0 : index
    %swap3A_39 = arith.constant 0 : index
    %swap3A_40 = vector.load %arg9[%swap3A, %swap3A_39] : memref<1024x1xf32, #tpu.memory_space<vmem>>, vector<1024x1xf32>
    tpu.vector_store %arg9[%swap3A, %swap3A_39], %div3A_12 {strides = array<i32>} : memref<1024x1xf32, #tpu.memory_space<vmem>>, vector<1024x1xf32>,
    %swap3A_41 = arith.constant 0 : index
    %swap3A_42 = arith.constant 0 : index
    %swap3A_43 = vector.load %arg8[%swap3A_41, %swap3A_42] : memref<1024x128xf32, #tpu.memory_space<vmem>>, vector<1024x128xf32>
    tpu.vector_store %arg8[%swap3A_41, %swap3A_42], %add3A_38 {strides = array<i32>} : memref<1024x128xf32, #tpu.memory_space<vmem>>, vector<1024x128xf32>,
    %slice3A_44 = vector.extract_strided_slice %add3A_38 {offsets = [0, 0], sizes = [1024, 8], strides = [1, 1]} : vector<1024x128xf32> to vector<1024x8xf32>
    %swap3A_45 = arith.constant 0 : index
    %swap3A_46 = arith.constant 0 : index
    %swap3A_47 = arith.constant 0 : index
    %swap3A_48 = vector.load %arg7[%swap3A_45, %swap3A_46, %swap3A_47] : memref<16x1024x8xf32, #tpu.memory_space<vmem>>, vector<1x1024x8xf32>
    %swap3A_49 = vector.shape_cast %swap3A_48 : vector<1x1024x8xf32> to vector<1024x8xf32>
    %swap3A_50 = vector.shape_cast %slice3A_44 : vector<1024x8xf32> to vector<1x1024x8xf32>
    tpu.vector_store %arg7[%swap3A_45, %swap3A_46, %swap3A_47], %swap3A_50 {strides = array<i32>} : memref<16x1024x8xf32, #tpu.memory_space<vmem>>, vector<1x1024x8xf32>,
    %slice3A_51 = vector.extract_strided_slice %add3A_38 {offsets = [0, 8], sizes = [1024, 8], strides = [1, 1]} : vector<1024x128xf32> to vector<1024x8xf32>
    %swap3A_52 = arith.constant 1 : index
    %swap3A_53 = arith.constant 0 : index
    %swap3A_54 = arith.constant 0 : index
    %swap3A_55 = vector.load %arg7[%swap3A_52, %swap3A_53, %swap3A_54] : memref<16x1024x8xf32, #tpu.memory_space<vmem>>, vector<1x1024x8xf32>
    %swap3A_56 = vector.shape_cast %swap3A_55 : vector<1x1024x8xf32> to vector<1024x8xf32>
    %swap3A_57 = vector.shape_cast %slice3A_51 : vector<1024x8xf32> to vector<1x1024x8xf32>
    tpu.vector_store %arg7[%swap3A_52, %swap3A_53, %swap3A_54], %swap3A_57 {strides = array<i32>} : memref<16x1024x8xf32, #tpu.memory_space<vmem>>, vector<1x1024x8xf32>,
    %slice3A_58 = vector.extract_strided_slice %add3A_38 {offsets = [0, 16], sizes = [1024, 8], strides = [1, 1]} : vector<1024x128xf32> to vector<1024x8xf32>
    %swap3A_59 = arith.constant 2 : index
    %swap3A_60 = arith.constant 0 : index
    %swap3A_61 = arith.constant 0 : index
    %swap3A_62 = vector.load %arg7[%swap3A_59, %swap3A_60, %swap3A_61] : memref<16x1024x8xf32, #tpu.memory_space<vmem>>, vector<1x1024x8xf32>
    %swap3A_63 = vector.shape_cast %swap3A_62 : vector<1x1024x8xf32> to vector<1024x8xf32>
    %swap3A_64 = vector.shape_cast %slice3A_58 : vector<1024x8xf32> to vector<1x1024x8xf32>
    tpu.vector_store %arg7[%swap3A_59, %swap3A_60, %swap3A_61], %swap3A_64 {strides = array<i32>} : memref<16x1024x8xf32, #tpu.memory_space<vmem>>, vector<1x1024x8xf32>,
    %slice3A_65 = vector.extract_strided_slice %add3A_38 {offsets = [0, 24], sizes = [1024, 8], strides = [1, 1]} : vector<1024x128xf32> to vector<1024x8xf32>
    %swap3A_66 = arith.constant 3 : index
    %swap3A_67 = arith.constant 0 : index
    %swap3A_68 = arith.constant 0 : index
    %swap3A_69 = vector.load %arg7[%swap3A_66, %swap3A_67, %swap3A_68] : memref<16x1024x8xf32, #tpu.memory_space<vmem>>, vector<1x1024x8xf32>
    %swap3A_70 = vector.shape_cast %swap3A_69 : vector<1x1024x8xf32> to vector<1024x8xf32>
    %swap3A_71 = vector.shape_cast %slice3A_65 : vector<1024x8xf32> to vector<1x1024x8xf32>
    tpu.vector_store %arg7[%swap3A_66, %swap3A_67, %swap3A_68], %swap3A_71 {strides = array<i32>} : memref<16x1024x8xf32, #tpu.memory_space<vmem>>, vector<1x1024x8xf32>,
    %slice3A_72 = vector.extract_strided_slice %add3A_38 {offsets = [0, 32], sizes = [1024, 8], strides = [1, 1]} : vector<1024x128xf32> to vector<1024x8xf32>
    %swap3A_73 = arith.constant 4 : index
    %swap3A_74 = arith.constant 0 : index
    %swap3A_75 = arith.constant 0 : index
    %swap3A_76 = vector.load %arg7[%swap3A_73, %swap3A_74, %swap3A_75] : memref<16x1024x8xf32, #tpu.memory_space<vmem>>, vector<1x1024x8xf32>
    %swap3A_77 = vector.shape_cast %swap3A_76 : vector<1x1024x8xf32> to vector<1024x8xf32>
    %swap3A_78 = vector.shape_cast %slice3A_72 : vector<1024x8xf32> to vector<1x1024x8xf32>
    tpu.vector_store %arg7[%swap3A_73, %swap3A_74, %swap3A_75], %swap3A_78 {strides = array<i32>} : memref<16x1024x8xf32, #tpu.memory_space<vmem>>, vector<1x1024x8xf32>,
    %slice3A_79 = vector.extract_strided_slice %add3A_38 {offsets = [0, 40], sizes = [1024, 8], strides = [1, 1]} : vector<1024x128xf32> to vector<1024x8xf32>
    %swap3A_80 = arith.constant 5 : index
    %swap3A_81 = arith.constant 0 : index
    %swap3A_82 = arith.constant 0 : index
    %swap3A_83 = vector.load %arg7[%swap3A_80, %swap3A_81, %swap3A_82] : memref<16x1024x8xf32, #tpu.memory_space<vmem>>, vector<1x1024x8xf32>
    %swap3A_84 = vector.shape_cast %swap3A_83 : vector<1x1024x8xf32> to vector<1024x8xf32>
    %swap3A_85 = vector.shape_cast %slice3A_79 : vector<1024x8xf32> to vector<1x1024x8xf32>
    tpu.vector_store %arg7[%swap3A_80, %swap3A_81, %swap3A_82], %swap3A_85 {strides = array<i32>} : memref<16x1024x8xf32, #tpu.memory_space<vmem>>, vector<1x1024x8xf32>,
    %slice3A_86 = vector.extract_strided_slice %add3A_38 {offsets = [0, 48], sizes = [1024, 8], strides = [1, 1]} : vector<1024x128xf32> to vector<1024x8xf32>
    %swap3A_87 = arith.constant 6 : index
    %swap3A_88 = arith.constant 0 : index
    %swap3A_89 = arith.constant 0 : index
    %swap3A_90 = vector.load %arg7[%swap3A_87, %swap3A_88, %swap3A_89] : memref<16x1024x8xf32, #tpu.memory_space<vmem>>, vector<1x1024x8xf32>
    %swap3A_91 = vector.shape_cast %swap3A_90 : vector<1x1024x8xf32> to vector<1024x8xf32>
    %swap3A_92 = vector.shape_cast %slice3A_86 : vector<1024x8xf32> to vector<1x1024x8xf32>
    tpu.vector_store %arg7[%swap3A_87, %swap3A_88, %swap3A_89], %swap3A_92 {strides = array<i32>} : memref<16x1024x8xf32, #tpu.memory_space<vmem>>, vector<1x1024x8xf32>,
    %slice3A_93 = vector.extract_strided_slice %add3A_38 {offsets = [0, 56], sizes = [1024, 8], strides = [1, 1]} : vector<1024x128xf32> to vector<1024x8xf32>
    %swap3A_94 = arith.constant 7 : index
    %swap3A_95 = arith.constant 0 : index
    %swap3A_96 = arith.constant 0 : index
    %swap3A_97 = vector.load %arg7[%swap3A_94, %swap3A_95, %swap3A_96] : memref<16x1024x8xf32, #tpu.memory_space<vmem>>, vector<1x1024x8xf32>
    %swap3A_98 = vector.shape_cast %swap3A_97 : vector<1x1024x8xf32> to vector<1024x8xf32>
    %swap3A_99 = vector.shape_cast %slice3A_93 : vector<1024x8xf32> to vector<1x1024x8xf32>
    tpu.vector_store %arg7[%swap3A_94, %swap3A_95, %swap3A_96], %swap3A_99 {strides = array<i32>} : memref<16x1024x8xf32, #tpu.memory_space<vmem>>, vector<1x1024x8xf32>,
    %slice3A_100 = vector.extract_strided_slice %add3A_38 {offsets = [0, 64], sizes = [1024, 8], strides = [1, 1]} : vector<1024x128xf32> to vector<1024x8xf32>
    %swap3A_101 = arith.constant 8 : index
    %swap3A_102 = arith.constant 0 : index
    %swap3A_103 = arith.constant 0 : index
    %swap3A_104 = vector.load %arg7[%swap3A_101, %swap3A_102, %swap3A_103] : memref<16x1024x8xf32, #tpu.memory_space<vmem>>, vector<1x1024x8xf32>
    %swap3A_105 = vector.shape_cast %swap3A_104 : vector<1x1024x8xf32> to vector<1024x8xf32>
    %swap3A_106 = vector.shape_cast %slice3A_100 : vector<1024x8xf32> to vector<1x1024x8xf32>
    tpu.vector_store %arg7[%swap3A_101, %swap3A_102, %swap3A_103], %swap3A_106 {strides = array<i32>} : memref<16x1024x8xf32, #tpu.memory_space<vmem>>, vector<1x1024x8xf32>,
    %slice3A_107 = vector.extract_strided_slice %add3A_38 {offsets = [0, 72], sizes = [1024, 8], strides = [1, 1]} : vector<1024x128xf32> to vector<1024x8xf32>
    %swap3A_108 = arith.constant 9 : index
    %swap3A_109 = arith.constant 0 : index
    %swap3A_110 = arith.constant 0 : index
    %swap3A_111 = vector.load %arg7[%swap3A_108, %swap3A_109, %swap3A_110] : memref<16x1024x8xf32, #tpu.memory_space<vmem>>, vector<1x1024x8xf32>
    %swap3A_112 = vector.shape_cast %swap3A_111 : vector<1x1024x8xf32> to vector<1024x8xf32>
    %swap3A_113 = vector.shape_cast %slice3A_107 : vector<1024x8xf32> to vector<1x1024x8xf32>
    tpu.vector_store %arg7[%swap3A_108, %swap3A_109, %swap3A_110], %swap3A_113 {strides = array<i32>} : memref<16x1024x8xf32, #tpu.memory_space<vmem>>, vector<1x1024x8xf32>,
    %slice3A_114 = vector.extract_strided_slice %add3A_38 {offsets = [0, 80], sizes = [1024, 8], strides = [1, 1]} : vector<1024x128xf32> to vector<1024x8xf32>
    %swap3A_115 = arith.constant 10 : index
    %swap3A_116 = arith.constant 0 : index
    %swap3A_117 = arith.constant 0 : index
    %swap3A_118 = vector.load %arg7[%swap3A_115, %swap3A_116, %swap3A_117] : memref<16x1024x8xf32, #tpu.memory_space<vmem>>, vector<1x1024x8xf32>
    %swap3A_119 = vector.shape_cast %swap3A_118 : vector<1x1024x8xf32> to vector<1024x8xf32>
    %swap3A_120 = vector.shape_cast %slice3A_114 : vector<1024x8xf32> to vector<1x1024x8xf32>
    tpu.vector_store %arg7[%swap3A_115, %swap3A_116, %swap3A_117], %swap3A_120 {strides = array<i32>} : memref<16x1024x8xf32, #tpu.memory_space<vmem>>, vector<1x1024x8xf32>,
    %slice3A_121 = vector.extract_strided_slice %add3A_38 {offsets = [0, 88], sizes = [1024, 8], strides = [1, 1]} : vector<1024x128xf32> to vector<1024x8xf32>
    %swap3A_122 = arith.constant 11 : index
    %swap3A_123 = arith.constant 0 : index
    %swap3A_124 = arith.constant 0 : index
    %swap3A_125 = vector.load %arg7[%swap3A_122, %swap3A_123, %swap3A_124] : memref<16x1024x8xf32, #tpu.memory_space<vmem>>, vector<1x1024x8xf32>
    %swap3A_126 = vector.shape_cast %swap3A_125 : vector<1x1024x8xf32> to vector<1024x8xf32>
    %swap3A_127 = vector.shape_cast %slice3A_121 : vector<1024x8xf32> to vector<1x1024x8xf32>
    tpu.vector_store %arg7[%swap3A_122, %swap3A_123, %swap3A_124], %swap3A_127 {strides = array<i32>} : memref<16x1024x8xf32, #tpu.memory_space<vmem>>, vector<1x1024x8xf32>,
    %slice3A_128 = vector.extract_strided_slice %add3A_38 {offsets = [0, 96], sizes = [1024, 8], strides = [1, 1]} : vector<1024x128xf32> to vector<1024x8xf32>
    %swap3A_129 = arith.constant 12 : index
    %swap3A_130 = arith.constant 0 : index
    %swap3A_131 = arith.constant 0 : index
    %swap3A_132 = vector.load %arg7[%swap3A_129, %swap3A_130, %swap3A_131] : memref<16x1024x8xf32, #tpu.memory_space<vmem>>, vector<1x1024x8xf32>
    %swap3A_133 = vector.shape_cast %swap3A_132 : vector<1x1024x8xf32> to vector<1024x8xf32>
    %swap3A_134 = vector.shape_cast %slice3A_128 : vector<1024x8xf32> to vector<1x1024x8xf32>
    tpu.vector_store %arg7[%swap3A_129, %swap3A_130, %swap3A_131], %swap3A_134 {strides = array<i32>} : memref<16x1024x8xf32, #tpu.memory_space<vmem>>, vector<1x1024x8xf32>,
    %slice3A_135 = vector.extract_strided_slice %add3A_38 {offsets = [0, 104], sizes = [1024, 8], strides = [1, 1]} : vector<1024x128xf32> to vector<1024x8xf32>
    %swap3A_136 = arith.constant 13 : index
    %swap3A_137 = arith.constant 0 : index
    %swap3A_138 = arith.constant 0 : index
    %swap3A_139 = vector.load %arg7[%swap3A_136, %swap3A_137, %swap3A_138] : memref<16x1024x8xf32, #tpu.memory_space<vmem>>, vector<1x1024x8xf32>
    %swap3A_140 = vector.shape_cast %swap3A_139 : vector<1x1024x8xf32> to vector<1024x8xf32>
    %swap3A_141 = vector.shape_cast %slice3A_135 : vector<1024x8xf32> to vector<1x1024x8xf32>
    tpu.vector_store %arg7[%swap3A_136, %swap3A_137, %swap3A_138], %swap3A_141 {strides = array<i32>} : memref<16x1024x8xf32, #tpu.memory_space<vmem>>, vector<1x1024x8xf32>,
    %slice3A_142 = vector.extract_strided_slice %add3A_38 {offsets = [0, 112], sizes = [1024, 8], strides = [1, 1]} : vector<1024x128xf32> to vector<1024x8xf32>
    %swap3A_143 = arith.constant 14 : index
    %swap3A_144 = arith.constant 0 : index
    %swap3A_145 = arith.constant 0 : index
    %swap3A_146 = vector.load %arg7[%swap3A_143, %swap3A_144, %swap3A_145] : memref<16x1024x8xf32, #tpu.memory_space<vmem>>, vector<1x1024x8xf32>
    %swap3A_147 = vector.shape_cast %swap3A_146 : vector<1x1024x8xf32> to vector<1024x8xf32>
    %swap3A_148 = vector.shape_cast %slice3A_142 : vector<1024x8xf32> to vector<1x1024x8xf32>
    tpu.vector_store %arg7[%swap3A_143, %swap3A_144, %swap3A_145], %swap3A_148 {strides = array<i32>} : memref<16x1024x8xf32, #tpu.memory_space<vmem>>, vector<1x1024x8xf32>,
    %slice3A_149 = vector.extract_strided_slice %add3A_38 {offsets = [0, 120], sizes = [1024, 8], strides = [1, 1]} : vector<1024x128xf32> to vector<1024x8xf32>
    %swap3A_150 = arith.constant 15 : index
    %swap3A_151 = arith.constant 0 : index
    %swap3A_152 = arith.constant 0 : index
    %swap3A_153 = vector.load %arg7[%swap3A_150, %swap3A_151, %swap3A_152] : memref<16x1024x8xf32, #tpu.memory_space<vmem>>, vector<1x1024x8xf32>
    %swap3A_154 = vector.shape_cast %swap3A_153 : vector<1x1024x8xf32> to vector<1024x8xf32>
    %swap3A_155 = vector.shape_cast %slice3A_149 : vector<1024x8xf32> to vector<1x1024x8xf32>
    tpu.vector_store %arg7[%swap3A_150, %swap3A_151, %swap3A_152], %swap3A_155 {strides = array<i32>} : memref<16x1024x8xf32, #tpu.memory_space<vmem>>, vector<1x1024x8xf32>,
    return
  }
  func.func @transform_0(%arg0: i32) -> (i32, i32) {
    %c0_i32 = arith.constant 0 : i32
    %c0_i32_0 = arith.constant 0 : i32
    return %arg0, %c0_i32 : i32, i32
  }
  func.func @transform_1(%arg0: i32) -> (i32, i32) {
    %c0_i32 = arith.constant 0 : i32
    %c0_i32_0 = arith.constant 0 : i32
    return %arg0, %c0_i32 : i32, i32
  }
  func.func @transform_2(%arg0: i32) -> (i32, i32) {
    %c0_i32 = arith.constant 0 : i32
    %c0_i32_0 = arith.constant 0 : i32
    return %arg0, %c0_i32 : i32, i32
  }
  func.func @transform_3(%arg0: i32) -> (i32, i32) {
    %c0_i32 = arith.constant 0 : i32
    %c0_i32_0 = arith.constant 0 : i32
    %c0_i32_1 = arith.constant 0 : i32
    return %c0_i32, %c0_i32_0 : i32, i32
  }
  func.func @transform_4(%arg0: i32) -> (i32, i32) {
    %c0_i32 = arith.constant 0 : i32
    %c0_i32_0 = arith.constant 0 : i32
    %c0_i32_1 = arith.constant 0 : i32
    return %c0_i32, %c0_i32_0 : i32, i32
  }
  func.func @transform_5(%arg0: i32) -> (i32, i32) {
    %c0_i32 = arith.constant 0 : i32
    %c0_i32_0 = arith.constant 0 : i32
    %c0_i32_1 = arith.constant 0 : i32
    return %c0_i32, %c0_i32_0 : i32, i32
  }
  func.func @transform_6(%arg0: i32) -> (i32, i32, i32) {
    %c0_i32 = arith.constant 0 : i32
    %c0_i32_0 = arith.constant 0 : i32
    %c0_i32_1 = arith.constant 0 : i32
    return %c0_i32, %arg0, %c0_i32_0 : i32, i32, i32
  }
  func.func @transform_7(%arg0: i32) -> (i32, i32) {
    %c0_i32 = arith.constant 0 : i32
    %c0_i32_0 = arith.constant 0 : i32
    return %arg0, %c0_i32 : i32, i32
  }
  func.func @transform_8(%arg0: i32) -> (i32, i32) {
    %c0_i32 = arith.constant 0 : i32
    %c0_i32_0 = arith.constant 0 : i32
    return %arg0, %c0_i32 : i32, i32
  }
}

module attributes {stable_mosaic.version = 14 : i64} {
  func.func @_tail_body(%arg0: i32, %arg1: memref<1024x128xf32, #tpu.memory_space<vmem>>, %arg2: memref<1024x1xf32, #tpu.memory_space<vmem>>, %arg3: memref<1024x128xf32, #tpu.memory_space<vmem>>, %arg4: memref<1024x1xi32, #tpu.memory_space<vmem>>, %arg5: memref<128x128xf32, #tpu.memory_space<vmem>>, %arg6: memref<1x128xf32, #tpu.memory_space<vmem>>, %arg7: memref<128x128xf32, #tpu.memory_space<vmem>>, %arg8: memref<128x64xf32, #tpu.memory_space<vmem>>, %arg9: memref<1x64xf32, #tpu.memory_space<vmem>>, %arg10: memref<64x1xf32, #tpu.memory_space<vmem>>, %arg11: memref<1x1xf32, #tpu.memory_space<vmem>>, %arg12: memref<64x1xf32, #tpu.memory_space<vmem>>, %arg13: memref<64x128xf32, #tpu.memory_space<vmem>>, %arg14: memref<64x128xf32, #tpu.memory_space<vmem>>) attributes {dimension_semantics = [#tpu.dimension_semantics<arbitrary>], iteration_bounds = array<i64: 49>, scalar_prefetch = 0 : i64, scratch_operands = 2 : i64, tpu.core_type = #tpu.core_type<tc>, window_params = [{transform_indices = @transform_0, window_bounds = array<i64: 1024, 128>}, {transform_indices = @transform_1, window_bounds = array<i64: 1024, 1>}, {transform_indices = @transform_2, window_bounds = array<i64: 1024, 128>}, {transform_indices = @transform_3, window_bounds = array<i64: 1024, 1>}, {pipeline_mode = #tpu.pipeline_mode<synchronous>, transform_indices = @transform_4, window_bounds = array<i64: 128, 128>}, {pipeline_mode = #tpu.pipeline_mode<synchronous>, transform_indices = @transform_5, window_bounds = array<i64: 1, 128>}, {pipeline_mode = #tpu.pipeline_mode<synchronous>, transform_indices = @transform_6, window_bounds = array<i64: 128, 128>}, {pipeline_mode = #tpu.pipeline_mode<synchronous>, transform_indices = @transform_7, window_bounds = array<i64: 128, 64>}, {pipeline_mode = #tpu.pipeline_mode<synchronous>, transform_indices = @transform_8, window_bounds = array<i64: 1, 64>}, {pipeline_mode = #tpu.pipeline_mode<synchronous>, transform_indices = @transform_9, window_bounds = array<i64: 64, 1>}, {pipeline_mode = #tpu.pipeline_mode<synchronous>, transform_indices = @transform_10, window_bounds = array<i64: 1, 1>}, {pipeline_mode = #tpu.pipeline_mode<synchronous>, transform_indices = @transform_11, window_bounds = array<i64: 64, 1>}]} {
    %eq3A = arith.constant 0 : i32
    %eq3A_0 = arith.cmpi eq, %arg0, %eq3A : i32
    %convert_element_type3A = arith.extui %eq3A_0 : i1 to i32
    %cond3A = arith.constant 0 : i32
    %cond3A_1 = arith.cmpi ne, %convert_element_type3A, %cond3A : i32
    scf.if %cond3A_1 {
      %broadcast_in_dim3A_60 = arith.constant 0.000000e+00 : f32
      %broadcast_in_dim3A_61 = vector.broadcast %broadcast_in_dim3A_60 : f32 to vector<64x128xf32>
      %swap3A_62 = arith.constant 0 : index
      %swap3A_63 = arith.constant 0 : index
      %swap3A_64 = vector.load %arg13[%swap3A_62, %swap3A_63] : memref<64x128xf32, #tpu.memory_space<vmem>>, vector<64x128xf32>
      tpu.vector_store %arg13[%swap3A_62, %swap3A_63], %broadcast_in_dim3A_61 {strides = array<i32>} : memref<64x128xf32, #tpu.memory_space<vmem>>, vector<64x128xf32>,
      %broadcast_in_dim3A_65 = arith.constant 0.000000e+00 : f32
      %broadcast_in_dim3A_66 = vector.broadcast %broadcast_in_dim3A_65 : f32 to vector<64x128xf32>
      %swap3A_67 = arith.constant 0 : index
      %swap3A_68 = arith.constant 0 : index
      %swap3A_69 = vector.load %arg14[%swap3A_67, %swap3A_68] : memref<64x128xf32, #tpu.memory_space<vmem>>, vector<64x128xf32>
      tpu.vector_store %arg14[%swap3A_67, %swap3A_68], %broadcast_in_dim3A_66 {strides = array<i32>} : memref<64x128xf32, #tpu.memory_space<vmem>>, vector<64x128xf32>,
    } else {
    }
    %get3A = arith.constant 0 : index
    %get3A_2 = arith.constant 0 : index
    %get3A_3 = vector.load %arg3[%get3A, %get3A_2] : memref<1024x128xf32, #tpu.memory_space<vmem>>, vector<1024x128xf32>
    %get3A_4 = arith.constant 0 : index
    %get3A_5 = arith.constant 0 : index
    %get3A_6 = vector.load %arg1[%get3A_4, %get3A_5] : memref<1024x128xf32, #tpu.memory_space<vmem>>, vector<1024x128xf32>
    %get3A_7 = arith.constant 0 : index
    %get3A_8 = arith.constant 0 : index
    %get3A_9 = vector.load %arg2[%get3A_7, %get3A_8] : memref<1024x1xf32, #tpu.memory_space<vmem>>, vector<1024x1xf32>
    %mul3A = vector.broadcast %get3A_9 : vector<1024x1xf32> to vector<1024x128xf32>
    %mul3A_10 = arith.mulf %get3A_6, %mul3A : vector<1024x128xf32>
    %get3A_11 = arith.constant 0 : index
    %get3A_12 = arith.constant 0 : index
    %get3A_13 = vector.load %arg5[%get3A_11, %get3A_12] : memref<128x128xf32, #tpu.memory_space<vmem>>, vector<128x128xf32>
    %dot_general3A = arith.constant dense<0.000000e+00> : vector<1024x128xf32>
    %dot_general3A_14 = tpu.matmul %mul3A_10, %get3A_13, %dot_general3A {dimension_numbers = #tpu.dot_dimension_numbers<[1], [0], [0], [1], [0, 0, 1, 1], [], []>, transpose_lhs_hint = false} : vector<1024x128xf32>, vector<128x128xf32>, vector<1024x128xf32> -> vector<1024x128xf32>
    %get3A_15 = arith.constant 0 : index
    %get3A_16 = arith.constant 0 : index
    %get3A_17 = vector.load %arg6[%get3A_15, %get3A_16] : memref<1x128xf32, #tpu.memory_space<vmem>>, vector<1x128xf32>
    %add3A = vector.broadcast %get3A_17 : vector<1x128xf32> to vector<1024x128xf32>
    %add3A_18 = arith.addf %dot_general3A_14, %add3A : vector<1024x128xf32>
    %get3A_19 = arith.constant 0 : index
    %get3A_20 = arith.constant 0 : index
    %get3A_21 = vector.load %arg7[%get3A_19, %get3A_20] : memref<128x128xf32, #tpu.memory_space<vmem>>, vector<128x128xf32>
    %dot_general3A_22 = arith.constant dense<0.000000e+00> : vector<1024x128xf32>
    %dot_general3A_23 = tpu.matmul %get3A_3, %get3A_21, %dot_general3A_22 {dimension_numbers = #tpu.dot_dimension_numbers<[1], [0], [0], [1], [0, 0, 1, 1], [], []>, transpose_lhs_hint = false} : vector<1024x128xf32>, vector<128x128xf32>, vector<1024x128xf32> -> vector<1024x128xf32>
    %add3A_24 = arith.addf %add3A_18, %dot_general3A_23 : vector<1024x128xf32>
    %max3A = arith.constant 0.000000e+00 : f32
    %max3A_25 = vector.broadcast %max3A : f32 to vector<1024x128xf32>
    %max3A_26 = arith.maximumf %add3A_24, %max3A_25 : vector<1024x128xf32>
    %add3A_27 = arith.addf %max3A_26, %get3A_3 : vector<1024x128xf32>
    %get3A_28 = arith.constant 0 : index
    %get3A_29 = arith.constant 0 : index
    %get3A_30 = vector.load %arg4[%get3A_28, %get3A_29] : memref<1024x1xi32, #tpu.memory_space<vmem>>, vector<1024x1xi32>
    %iota3A = tpu.iota {dimensions = array<i32: 1>} : vector<1x64xi32>
    %eq3A_31 = vector.broadcast %get3A_30 : vector<1024x1xi32> to vector<1024x64xi32>
    %eq3A_32 = vector.broadcast %iota3A : vector<1x64xi32> to vector<1024x64xi32>
    %eq3A_33 = arith.cmpi eq, %eq3A_31, %eq3A_32 : vector<1024x64xi32>
    %jit3A = arith.constant 1.000000e+00 : f32
    %jit3A_34 = arith.constant 0.000000e+00 : f32
    %broadcast_in_dim3A = vector.broadcast %jit3A : f32 to vector<1024x64xf32>
    %broadcast_in_dim3A_35 = vector.broadcast %jit3A_34 : f32 to vector<1024x64xf32>
    %select_n3A = arith.select %eq3A_33, %broadcast_in_dim3A, %broadcast_in_dim3A_35 : vector<1024x64xi1>, vector<1024x64xf32>
    %get3A_36 = arith.constant 0 : index
    %get3A_37 = arith.constant 0 : index
    %get3A_38 = vector.load %arg13[%get3A_36, %get3A_37] : memref<64x128xf32, #tpu.memory_space<vmem>>, vector<64x128xf32>
    %dot_general3A_39 = arith.constant dense<0.000000e+00> : vector<64x128xf32>
    %dot_general3A_40 = tpu.matmul %select_n3A, %add3A_27, %dot_general3A_39 {dimension_numbers = #tpu.dot_dimension_numbers<[0], [0], [1], [1], [0, 1, 1, 1], [], []>, precision = #tpu.contract_precision<fp32>, transpose_lhs_hint = false} : vector<1024x64xf32>, vector<1024x128xf32>, vector<64x128xf32> -> vector<64x128xf32>
    %add3A_41 = arith.addf %get3A_38, %dot_general3A_40 : vector<64x128xf32>
    %swap3A = arith.constant 0 : index
    %swap3A_42 = arith.constant 0 : index
    %swap3A_43 = vector.load %arg13[%swap3A, %swap3A_42] : memref<64x128xf32, #tpu.memory_space<vmem>>, vector<64x128xf32>
    tpu.vector_store %arg13[%swap3A, %swap3A_42], %add3A_41 {strides = array<i32>} : memref<64x128xf32, #tpu.memory_space<vmem>>, vector<64x128xf32>,
    %get3A_44 = arith.constant 0 : index
    %get3A_45 = arith.constant 0 : index
    %get3A_46 = vector.load %arg14[%get3A_44, %get3A_45] : memref<64x128xf32, #tpu.memory_space<vmem>>, vector<64x128xf32>
    %broadcast_in_dim3A_47 = arith.constant 1.000000e+00 : f32
    %broadcast_in_dim3A_48 = vector.broadcast %broadcast_in_dim3A_47 : f32 to vector<1024x128xf32>
    %dot_general3A_49 = arith.constant dense<0.000000e+00> : vector<64x128xf32>
    %dot_general3A_50 = tpu.matmul %select_n3A, %broadcast_in_dim3A_48, %dot_general3A_49 {dimension_numbers = #tpu.dot_dimension_numbers<[0], [0], [1], [1], [0, 1, 1, 1], [], []>, precision = #tpu.contract_precision<fp32>, transpose_lhs_hint = false} : vector<1024x64xf32>, vector<1024x128xf32>, vector<64x128xf32> -> vector<64x128xf32>
    %add3A_51 = arith.addf %get3A_46, %dot_general3A_50 : vector<64x128xf32>
    %swap3A_52 = arith.constant 0 : index
    %swap3A_53 = arith.constant 0 : index
    %swap3A_54 = vector.load %arg14[%swap3A_52, %swap3A_53] : memref<64x128xf32, #tpu.memory_space<vmem>>, vector<64x128xf32>
    tpu.vector_store %arg14[%swap3A_52, %swap3A_53], %add3A_51 {strides = array<i32>} : memref<64x128xf32, #tpu.memory_space<vmem>>, vector<64x128xf32>,
    %eq3A_55 = arith.constant 48 : i32
    %eq3A_56 = arith.cmpi eq, %arg0, %eq3A_55 : i32
    %convert_element_type3A_57 = arith.extui %eq3A_56 : i1 to i32
    %cond3A_58 = arith.constant 0 : i32
    %cond3A_59 = arith.cmpi ne, %convert_element_type3A_57, %cond3A_58 : i32
    scf.if %cond3A_59 {
      %get3A_60 = arith.constant 0 : index
      %get3A_61 = arith.constant 0 : index
      %get3A_62 = vector.load %arg13[%get3A_60, %get3A_61] : memref<64x128xf32, #tpu.memory_space<vmem>>, vector<64x128xf32>
      %get3A_63 = arith.constant 0 : index
      %get3A_64 = arith.constant 0 : index
      %get3A_65 = vector.load %arg14[%get3A_63, %get3A_64] : memref<64x128xf32, #tpu.memory_space<vmem>>, vector<64x128xf32>
      %max3A_66 = arith.constant 1.000000e+00 : f32
      %max3A_67 = vector.broadcast %max3A_66 : f32 to vector<64x128xf32>
      %max3A_68 = arith.maximumf %get3A_65, %max3A_67 : vector<64x128xf32>
      %div3A = arith.divf %get3A_62, %max3A_68 : vector<64x128xf32>
      %get3A_69 = arith.constant 0 : index
      %get3A_70 = arith.constant 0 : index
      %get3A_71 = vector.load %arg8[%get3A_69, %get3A_70] : memref<128x64xf32, #tpu.memory_space<vmem>>, vector<128x64xf32>
      %dot_general3A_72 = arith.constant dense<0.000000e+00> : vector<64x64xf32>
      %dot_general3A_73 = tpu.matmul %div3A, %get3A_71, %dot_general3A_72 {dimension_numbers = #tpu.dot_dimension_numbers<[1], [0], [0], [1], [0, 0, 1, 1], [], []>, transpose_lhs_hint = false} : vector<64x128xf32>, vector<128x64xf32>, vector<64x64xf32> -> vector<64x64xf32>
      %get3A_74 = arith.constant 0 : index
      %get3A_75 = arith.constant 0 : index
      %get3A_76 = vector.load %arg9[%get3A_74, %get3A_75] : memref<1x64xf32, #tpu.memory_space<vmem>>, vector<1x64xf32>
      %add3A_77 = vector.broadcast %get3A_76 : vector<1x64xf32> to vector<64x64xf32>
      %add3A_78 = arith.addf %dot_general3A_73, %add3A_77 : vector<64x64xf32>
      %max3A_79 = arith.constant 0.000000e+00 : f32
      %max3A_80 = vector.broadcast %max3A_79 : f32 to vector<64x64xf32>
      %max3A_81 = arith.maximumf %add3A_78, %max3A_80 : vector<64x64xf32>
      %get3A_82 = arith.constant 0 : index
      %get3A_83 = arith.constant 0 : index
      %get3A_84 = vector.load %arg10[%get3A_82, %get3A_83] : memref<64x1xf32, #tpu.memory_space<vmem>>, vector<64x1xf32>
      %dot_general3A_85 = arith.constant dense<0.000000e+00> : vector<64x1xf32>
      %dot_general3A_86 = tpu.matmul %max3A_81, %get3A_84, %dot_general3A_85 {dimension_numbers = #tpu.dot_dimension_numbers<[1], [0], [0], [1], [0, 0, 1, 1], [], []>, transpose_lhs_hint = false} : vector<64x64xf32>, vector<64x1xf32>, vector<64x1xf32> -> vector<64x1xf32>
      %get3A_87 = arith.constant 0 : index
      %get3A_88 = arith.constant 0 : index
      %get3A_89 = vector.load %arg11[%get3A_87, %get3A_88] : memref<1x1xf32, #tpu.memory_space<vmem>>, vector<1x1xf32>
      %add3A_90 = vector.broadcast %get3A_89 : vector<1x1xf32> to vector<64x1xf32>
      %add3A_91 = arith.addf %dot_general3A_86, %add3A_90 : vector<64x1xf32>
      %swap3A_92 = arith.constant 0 : index
      %swap3A_93 = arith.constant 0 : index
      %swap3A_94 = vector.load %arg12[%swap3A_92, %swap3A_93] : memref<64x1xf32, #tpu.memory_space<vmem>>, vector<64x1xf32>
      tpu.vector_store %arg12[%swap3A_92, %swap3A_93], %add3A_91 {strides = array<i32>} : memref<64x1xf32, #tpu.memory_space<vmem>>, vector<64x1xf32>,
    } else {
    }
    return
  }
  func.func @transform_0(%arg0: i32) -> (i32, i32) {
    %c0_i32 = arith.constant 0 : i32
    %c0_i32_0 = arith.constant 0 : i32
    return %arg0, %c0_i32 : i32, i32
  }
  func.func @transform_1(%arg0: i32) -> (i32, i32) {
    %c0_i32 = arith.constant 0 : i32
    %c0_i32_0 = arith.constant 0 : i32
    return %arg0, %c0_i32 : i32, i32
  }
  func.func @transform_2(%arg0: i32) -> (i32, i32) {
    %c0_i32 = arith.constant 0 : i32
    %c0_i32_0 = arith.constant 0 : i32
    return %arg0, %c0_i32 : i32, i32
  }
  func.func @transform_3(%arg0: i32) -> (i32, i32) {
    %c0_i32 = arith.constant 0 : i32
    %c0_i32_0 = arith.constant 0 : i32
    return %arg0, %c0_i32 : i32, i32
  }
  func.func @transform_4(%arg0: i32) -> (i32, i32) {
    %c0_i32 = arith.constant 0 : i32
    %c0_i32_0 = arith.constant 0 : i32
    %c0_i32_1 = arith.constant 0 : i32
    return %c0_i32, %c0_i32_0 : i32, i32
  }
  func.func @transform_5(%arg0: i32) -> (i32, i32) {
    %c0_i32 = arith.constant 0 : i32
    %c0_i32_0 = arith.constant 0 : i32
    %c0_i32_1 = arith.constant 0 : i32
    return %c0_i32, %c0_i32_0 : i32, i32
  }
  func.func @transform_6(%arg0: i32) -> (i32, i32) {
    %c0_i32 = arith.constant 0 : i32
    %c0_i32_0 = arith.constant 0 : i32
    %c0_i32_1 = arith.constant 0 : i32
    return %c0_i32, %c0_i32_0 : i32, i32
  }
  func.func @transform_7(%arg0: i32) -> (i32, i32) {
    %c0_i32 = arith.constant 0 : i32
    %c0_i32_0 = arith.constant 0 : i32
    %c0_i32_1 = arith.constant 0 : i32
    return %c0_i32, %c0_i32_0 : i32, i32
  }
  func.func @transform_8(%arg0: i32) -> (i32, i32) {
    %c0_i32 = arith.constant 0 : i32
    %c0_i32_0 = arith.constant 0 : i32
    %c0_i32_1 = arith.constant 0 : i32
    return %c0_i32, %c0_i32_0 : i32, i32
  }
  func.func @transform_9(%arg0: i32) -> (i32, i32) {
    %c0_i32 = arith.constant 0 : i32
    %c0_i32_0 = arith.constant 0 : i32
    %c0_i32_1 = arith.constant 0 : i32
    return %c0_i32, %c0_i32_0 : i32, i32
  }
  func.func @transform_10(%arg0: i32) -> (i32, i32) {
    %c0_i32 = arith.constant 0 : i32
    %c0_i32_0 = arith.constant 0 : i32
    %c0_i32_1 = arith.constant 0 : i32
    return %c0_i32, %c0_i32_0 : i32, i32
  }
  func.func @transform_11(%arg0: i32) -> (i32, i32) {
    %c0_i32 = arith.constant 0 : i32
    %c0_i32_0 = arith.constant 0 : i32
    %c0_i32_1 = arith.constant 0 : i32
    return %c0_i32, %c0_i32_0 : i32, i32
  }
}

</mosaic_0001>

<sc_bundles>
// kernel: kernel.6.cloned.1.call-start
scs
__scs_entry_jumppad:
0x0: {  	(pc) =	sbr.rel $0x88, $3  }
0x1: {  	(tag) =	ssettag $0x0;
	lr =	simm.s32 $0x1  }
0x2: {  	[smem:$0x3F94] =	sst lr;
	_ =	strace $0xD0000000  }
0x3: {  	_ = 	snop  }
0x4: {  	_ = 	snop  }
0x5: {  	_ = 	snop  }
0x6: {  	_ = 	snop  }
0x7: {  	_ = 	snop  }
__scs_overlays_trampoline_lowered:
0x8: {  	[smem:$0x3FA3] =	sst s0  }
0x9: {  	[smem:$0x3FA4] =	sst s1  }
0xa: {  	[smem:$0x3FA5] =	sst s2  }
0xb: {  	[smem:$0x3FA6] =	sst s3  }
0xc: {  	[smem:$0x3FA7] =	sst s4  }
0xd: {  	[smem:$0x3FA8] =	sst s5  }
0xe: {  	[smem:$0x3FA9] =	sst s6  }
0xf: {  	[smem:$0x3FAA] =	sst s7  }
0x10: {  	[smem:$0x3FAB] =	sst s8  }
0x11: {  	[smem:$0x3FAC] =	sst s9;
	s0 =	simm.s32 @!p0 $0x0  }
0x12: {  	s1 =	sld [smem:$0x3F92];
	s0 =	simm.s32 @p0 $0x1  }
0x13: {  	[smem:$0x3FAD] =	sst s0;
	s0 =	simm.s32 @!p1 $0x0  }
0x14: {  	s2 =	sld [smem:$0x3F91];
	s0 =	simm.s32 @p1 $0x1  }
0x15: {  	[smem:$0x3FAE] =	sst s0;
	s0 =	simm.s32 @!p2 $0x0  }
0x16: {  	s3 =	sld [smem:$0x3FDB];
	s0 =	simm.s32 @p2 $0x1  }
0x17: {  	s4 =	simm.s32 $0x1BF5;
	[smem:$0x3FB0] =	sst s0  }
0x18: {  	s0 =	sld [smem:$0x3F93];
	_ =	swait.ge [sflag:s4], $0x0  }
0x19: {  	s7 =	sld [smem:$0x3F94]  }
0x1a: {  	s8 =	sadd.s32 $0xFFFFE003, lr  }
0x1b: {  	s9 =	sadd.s32 $0xFFFFFEF7, lr;
	s5 =	simm.s32 $0xFFFFFFFF;
	p2 =	slt.u32 s8, $0xFFFFF086  }
0x1c: {  	p1 =	slt.u32 s9, $0xF7A;
	s5 =	simm.s32 @!p2 $0x0  }
0x1d: {  	s5 =	simm.s32 @p1 $0x1;
	p0 =	seq.s32 s7, s2  }
0x1e: {  	s7 =	smul.u32 @!p0 $0xF7A, s2;
	p2 =	seq.s32 @!p0 s5, $0x0  }
0x1f: {  	s9 =	smul.u32 $0xF7A, s1;
	s8 =	simm.s32 @!p0 $0x1BF5;
	p2 =	por !p2, p0  }
0x20: {  	[sflag:s8] =	ssyncset.s32 @!p0 $0xFFFFF086;
	s6 =	sadd.s32 @!p0 s3, s7;
	s7 =	simm.s32 @!p0 $0x108  }
0x21: {  	s3 =	sadd.s32 s3, s9;
	s6 =	sadd.s32 @!p0 $0x88, s6;
	s7 =	simm.s32 @p2 $0x1082  }
0x22: {  	[simem:s7], [sflag:s8] =	dma.local @!p0 [hbm:s6], $0xF7A  }
0x23: {  	s9 =	sor.u32 $0xD0000000, s2;
	s6 =	simm.s32 $0x108;
	_ =	swait.ge @!p0 [sflag:s8], $0x0  }
0x24: {  	s3 =	sadd.s32 $0x88, s3;
	s6 =	simm.s32 @!p1 $0x1082;
	[sflag:s4] =	ssyncset.s32 $0xFFFFF086  }
0x25: {  	[simem:s6], [sflag:s4] =	dma.local [hbm:s3], $0xF7A  }
0x26: {  	[smem:$0x3F94] =	sst s1;
	(tag) =	ssettag s2;
	_ =	strace s9  }
0x27: {  	s1 =	sld [smem:$0x3FA4]  }
0x28: {  	s2 =	sld [smem:$0x3FA5]  }
0x29: {  	s4 =	sld [smem:$0x3FA7]  }
0x2a: {  	p0 =	seq.s32 s5, $0x0;
	s5 =	sld [smem:$0x3FA8]  }
0x2b: {  	s6 =	sld [smem:$0x3FA9]  }
0x2c: {  	s7 =	sld [smem:$0x3FAA]  }
0x2d: {  	s3 =	simm.s32 $0x108;
	s8 =	sld [smem:$0x3FAB]  }
0x2e: {  	s3 =	simm.s32 @!p0 $0x1082;
	s9 =	sld [smem:$0x3FAC]  }
0x2f: {  	lr =	sadd.s32 s0, s3;
	s0 =	sld [smem:$0x3FA3]  }
0x30: {  	s3 =	sld [smem:$0x3FA6]  }
0x31: {  	[smem:$0x3FAF] =	sst s10  }
0x32: {  	s10 =	sld [smem:$0x3FAD];
	_ =	sdelay $0x3  }
0x33: {  	p0 =	seq.s32 s10, $0x1;
	s10 =	sld [smem:$0x3FAF];
	_ =	sdelay $0x3  }
0x34: {  	[smem:$0x3FAF] =	sst s10  }
0x35: {  	s10 =	sld [smem:$0x3FAE];
	_ =	sdelay $0x3  }
0x36: {  	p1 =	seq.s32 s10, $0x1;
	s10 =	sld [smem:$0x3FAF];
	_ =	sdelay $0x3  }
0x37: {  	[smem:$0x3FAF] =	sst s10  }
0x38: {  	s10 =	sld [smem:$0x3FB0]  }
0x39: {  	_ = 	snop;
	(pc) =	sbr.ind lr, $3  }
0x3a: {  	_ = 	snop  }
0x3b: {  	_ = 	snop  }
0x3c: {  	p2 =	seq.s32 s10, $0x1;
	s10 =	sld [smem:$0x3FAF]  }
0x3d: {  	_ =	shalt  }
0x3e: {  	_ =	shalt  }
0x3f: {  	_ =	shalt  }
0x40: {  	_ =	shalt  }
0x41: {  	_ =	shalt  }
0x42: {  	_ =	shalt  }
0x43: {  	_ =	shalt  }
0x44: {  	_ =	shalt  }
0x45: {  	_ =	shalt  }
0x46: {  	_ =	shalt  }
0x47: {  	_ =	shalt  }
0x48: {  	_ =	shalt  }
0x49: {  	_ =	shalt  }
0x4a: {  	_ =	shalt  }
0x4b: {  	_ =	shalt  }
0x4c: {  	_ =	shalt  }
0x4d: {  	_ =	shalt  }
0x4e: {  	_ =	shalt  }
0x4f: {  	_ =	shalt  }
0x50: {  	_ =	shalt  }
0x51: {  	_ =	shalt  }
0x52: {  	_ =	shalt  }
0x53: {  	_ =	shalt  }
0x54: {  	_ =	shalt  }
0x55: {  	_ =	shalt  }
0x56: {  	_ =	shalt  }
0x57: {  	_ =	shalt  }
0x58: {  	_ =	shalt  }
0x59: {  	_ =	shalt  }
0x5a: {  	_ =	shalt  }
0x5b: {  	_ =	shalt  }
0x5c: {  	_ =	shalt  }
0x5d: {  	_ =	shalt  }
0x5e: {  	_ =	shalt  }
0x5f: {  	_ =	shalt  }
0x60: {  	_ =	shalt  }
0x61: {  	_ =	shalt  }
0x62: {  	_ =	shalt  }
0x63: {  	_ =	shalt  }
0x64: {  	_ =	shalt  }
0x65: {  	_ =	shalt  }
0x66: {  	_ =	shalt  }
0x67: {  	_ =	shalt  }
0x68: {  	_ =	shalt  }
0x69: {  	_ =	shalt  }
0x6a: {  	_ =	shalt  }
0x6b: {  	_ =	shalt  }
0x6c: {  	_ =	shalt  }
0x6d: {  	_ =	shalt  }
0x6e: {  	_ =	shalt  }
0x6f: {  	_ =	shalt  }
0x70: {  	_ =	shalt  }
0x71: {  	_ =	shalt  }
0x72: {  	_ =	shalt  }
0x73: {  	_ =	shalt  }
0x74: {  	_ =	shalt  }
0x75: {  	_ =	shalt  }
0x76: {  	_ =	shalt  }
0x77: {  	_ =	shalt  }
0x78: {  	_ =	shalt  }
0x79: {  	_ =	shalt  }
0x7a: {  	_ =	shalt  }
0x7b: {  	_ =	shalt  }
0x7c: {  	_ =	shalt  }
0x7d: {  	_ =	shalt  }
0x7e: {  	_ =	shalt  }
0x7f: {  	_ =	shalt  }
0x80: {  	_ =	shalt  }
0x81: {  	_ =	shalt  }
0x82: {  	_ =	shalt  }
0x83: {  	_ =	shalt  }
0x84: {  	_ =	shalt  }
0x85: {  	_ =	shalt  }
0x86: {  	_ =	shalt  }
0x87: {  	_ =	shalt  }
.Lfunc_end0:
.L_simem_size_0:
called_computation_lowered:
.L_overlay_start_0:
0x88: {  	s2 =	sld [smem:$0x3FD9]  }
0x89: {  	s3 =	sld [smem:$0x3FFE];
	_ =	sdelay $0x1  }
0x8a: {  	s1 =	srdreg.scid  }
0x8b: {  	s0 =	sand.u32 $0x1, s1  }
0x8c: {  	s16 =	sshll.u32 s0, $0xA;
	s2 =	sadd.s32 s3, s2  }
0x8d: {  	s2 =	sadd.s32 s2, s16  }
0x8e: {  	[smem:$0x3FBB] =	sst s2  }
0x8f: {  	_ = 	snop  }
0x90: {  	(tm) =	ssettm $0x1  }
0x91: {  	s17 =	sld [smem:$0x3FFB];
	_ =	sdelay $0x3  }
0x92: {  	_ =	strace s17  }
0x93: {  	s2 =	sld [smem:$0x3FFC];
	_ =	sdelay $0x3  }
0x94: {  	_ =	strace s2  }
0x95: {  	s2 =	sld [smem:$0x3FFD];
	_ =	sdelay $0x3  }
0x96: {  	_ =	strace s2  }
0x97: {  	_ =	strace $0x8FFFFFFF  }
0x98: {  	s18 =	sld [smem:$0x3FDB];
	_ =	sdelay $0x1  }
0x99: {  	s19 =	simm.s32 $_scs_section_size  }
0x9a: {  	s4 =	simm.s32 $_size__tile_overlayer_lowered;
	s5 =	simm.s32 $_tile_overlayer_lowered  }
0x9b: {  	s22 =	simm.s32 $0x1BFF;
	s21 =	sshll.u32 s5, $0x1;
	s2 =	sadd.s32 s19, s18  }
0x9c: {  	s6 =	simm.s32 $0x0;
	s20 =	sshll.u32 s4, $0x1;
	s4 =	sadd.s32 s21, s2  }
0x9d: {  	[timem:s6], [sflag:s22] =	dma.local [hbm:s4], s20  }
0x9e: {  	_ =	swait.ge [sflag:s22], s20  }
0x9f: {  	s3 =	ssub.s32 $0x0, s20;
	[sflag:s22] =	ssyncset.done $0x0  }
0xa0: {  	[sflag:s22] =	ssyncadd.s32 s3;
	_ =	sdelay $0x1  }
0xa1: {  	s23 =	simm.s32 $0x1B8B  }
0xa2: {  	_ =	swait.ge [sflag:s23], $0x1  }
0xa3: {  	[sflag:s23] =	ssyncset.done $0x0  }
0xa4: {  	s25 =	simm.s32 $0x1B8E;
	s24 =	sld [smem:$0x3FFE];
	[sflag:s23] =	ssyncadd.s32 $0xFFFFFFFF  }
0xa5: {  	s26 =	simm.s32 $execute0_lowered;
	[smem:$0x3FD2] =	sst s25  }
0xa6: {  	s4 =	sshll.u32 s26, $0x1;
	_ =	strace $0x80000046;
	[dreg:$0x1] =	wrdreg $0xFFFFFFFF  }
0xa7: {  	s28 =	simm.s32 $_size_execute0_lowered;
	s2 =	sadd.s32 s2, s4;
	[dreg:$0x0] =	wrdreg $0x0  }
0xa8: {  	s4 =	sshll.u32 s28, $0x1;
	[dreg:$0x2] =	wrdreg s2  }
0xa9: {  	[dreg:$0x3] =	wrdreg s4  }
0xaa: {  	[dreg:$0x4] =	wrdreg $0xC0  }
0xab: {  	_ =	task [dreg:s6], $0x5FFFF  }
0xac: {  	[dreg:$0x1] =	wrdreg $0xFFFFFFFF  }
0xad: {  	[dreg:$0x0] =	wrdreg $0x60  }
0xae: {  	[dreg:$0x2] =	wrdreg s24  }
0xaf: {  	[dreg:$0x3] =	wrdreg $0xD0000  }
0xb0: {  	[dreg:$0x4] =	wrdreg $0x9  }
0xb1: {  	_ =	task.clear_ibuf [dreg:s6], $0x5FFFF;
	_ =	strace $0x90000046  }
0xb2: {  	s29 =	simm.s32 $0x9;
	_ =	strace $0x80000048  }
0xb3: {  	_ =	swait.ge [sflag:s29], $0x1  }
0xb4: {  	[sflag:s29] =	ssyncadd.s32 $0xFFFFFFFF  }
0xb5: {  	_ =	strace $0x90000048  }
0xb6: {  	_ =	sfence  }
0xb7: {  	s30 =	sld [smem:$0x0];
	_ =	sdelay $0x2  }
0xb8: {  	s31 =	sshll.u32 s1, $0xD;
	s1 =	sshrl.u32 s1, $0x2  }
0xb9: {  	s3 =	sand.u32 $0x4000, s31;
	s1 =	sadd.s32 s1, s30  }
0xba: {  	s0 =	sor.u32 s3, s0;
	s1 =	sshll.u32 s1, $0x11  }
0xbb: {  	s0 =	sor.u32 s1, s0  }
0xbc: {  	s0 =	sadd.s32 $0x8F2B, s0  }
0xbd: {  	[sflag:s0] =	ssyncadd.remote.s32 $0x1  }
0xbe: {  	_ =	sfence.sel $0xFFFF  }
0xbf: {  	[dreg:$0x0] =	wrdreg $0xFFFFFFFF;
	(pc) =	sbr.abs _section_cstart, $3  }
0xc0: {  	[dreg:$0x1] =	wrdreg $0xFFFFFFFF  }
0xc1: {  	_ =	task.clear_ibuf [dreg:s6], $0x2FFFF;
	_ =	strace $0x9FFFFFFF  }
0xc2: {  	(tm) =	ssettm $0x7FFFFFFF  }
0xc3: {  	_ =	shalt  }
tec
execute0_lowered:
.L_overlay_start_1:
0x0: {  	(tag) =	ssettag $0x1  }
0x1: {  	s6 =	rddreg [dreg:$0x0];
	s1 =	srdreg.scid  }
0x2: {  	s0 =	stileid.u32;
	s2 =	rddreg [dreg:$0x1]  }
0x3: {  	s3 =	simm.s32 $0x0;
	s13 =	simm.s32 $0x80;
	s14 =	simm.s32 $0xC800  }
0x4: {  	s15 =	simm.s32 $0x1;
	s5 =	sand.u32 $0x1, s1;
	s1 =	rddreg [dreg:$0x2]  }
0x5: {  	s4 =	sshll.u32 s0, $0x1;
	[smem:$0x7FF] =	sst s3;
	s11 =	smul.u32 $0xC400, s0  }
0x6: {  	s31 =	sshll.u32 s0, $0x6;
	s4 =	sor.u32 s5, s4;
	_ =	strace $0x80000047  }
0x7: {  	s8 =	smul.u32 $0x18800, s5;
	s9 =	ssub.s32 $0x2, s5;
	s5 =	sadd.s32 $0x2200, s6  }
0x8: {  	s7 =	smul.u32 $0xC80, s4;
	s4 =	sadd.s32 $0x1AA00, s6;
	s10 =	sshrl.u32 s9, $0x1  }
0x9: {  	s12 =	sadd.s32 s11, s2;
	s17 =	sshrl.u32 s11, $0x3;
	s11 =	sor.u32 $0x1C02, s31  }
0xa: {  	s8 =	sadd.s32 s8, s6;
	s9 =	ssub.s32 s9, s10;
	s10 =	simm.s32 $0x6400  }
0xb: {  	s12 =	sshrl.u32 s12, $0x3;
	s7 =	sadd.s32 s7, s6;
	s16 =	sadd.s32 $0x7E200, s8  }
0xc: {  	s8 =	smax.u32 s9, $0x1;
	s9 =	simm.s32 $0x2;
	s6 =	sadd.s32 $0x4C200, s7  }
0xd: {  	s7 =	sadd.s32 $0x33200, s7;
	s16 =	sadd.s32 s17, s16;
	s17 =	simm.s32 $0x0  }
.LBB2_1:
0xe: {  	[tilespmem:s3], [sflag:$0x2] =	stream.linear.gather [hbm4b:s6+s3], $0x6400, $0x38;
	[tilespmem:$0x19400] =	vst v63  }
0xf: {  	_ =	swait.ge [sflag:s9], $0x6400  }
0x10: {  	[sflag:s9] =	ssyncset.done $0x0  }
0x11: {  	[sflag:s9] =	ssyncadd.s32 $0xFFFF9C00  }
0x12: {  	[tilespmem:s10], [sflag:$0x2] =	stream.linear.gather [hbm4b:s7+s3], $0x6400, $0x38;
	[tilespmem:$0x19400] =	vst v63  }
0x13: {  	_ =	swait.ge [sflag:s9], $0x6400  }
0x14: {  	[sflag:s9] =	ssyncset.done $0x0  }
0x15: {  	[sflag:s9] =	ssyncadd.s32 $0xFFFF9C00  }
0x16: {  	[spmem:s12], [sflag:s11] =	dma.local [hbm:s5], $0x1880  }
0x17: {  	_ =	swait.ge [sflag:s9], $0x1880  }
0x18: {  	[sflag:s9] =	ssyncset.done $0x0  }
0x19: {  	[sflag:s9] =	ssyncadd.s32 $0xFFFFE780  }
0x1a: {  	s18 =	simm.s32 $0x0;
	[bflag:$0x0] =	sbarrier.arrive $0xFFFF  }
0x1b: {  	[tilespmem:s14], [sflag:$0x1] =	stream.indirect.gather [hbm4b:s4+s13], $0x10, s18, s13, $0xb8;
	[tilespmem:$0x19400] =	vst v63  }
0x1c: {  	_ =	swait.ge [sflag:s15], $0x800  }
0x1d: {  	[sflag:s15] =	ssyncset.done $0x0  }
0x1e: {  	s31 =	simm.s32 $0x6400;
	[sflag:s15] =	ssyncadd.s32 $0xFFFFF800  }
0x1f: {  	[spmem:s2] =	stream.indirect.scatter.add.f32 [tilespmem:s14], [sflag:$0x2], $0x10, s31, s13, $0xb8;
	[tilespmem:$0x19400] =	vst v63  }
0x20: {  	_ =	swait.ge [sflag:s9], $0x800  }
0x21: {  	s19 =	simm.s32 $0x400;
	s18 =	simm.s32 $0x200;
	[sflag:s9] =	ssyncset.done $0x0  }
.LBB2_2:
0x22: {  	s20 =	sshra.s32 s18, $0x2  }
0x23: {  	[sflag:s9] =	ssyncadd.s32 $0xFFFFF800;
	s18 =	smov.u32 s19;
	s21 =	sadd.s32 $0x200, s19  }
0x24: {  	[tilespmem:s14], [sflag:$0x1] =	stream.indirect.gather [hbm4b:s4+s13], $0x10, s20, s13, $0xb8;
	[tilespmem:$0x19400] =	vst v63  }
0x25: {  	p0 =	sne.s32 s19, $0x18E00;
	_ =	swait.ge [sflag:s15], $0x800  }
.Ltmp0:
0x26: {  	[sflag:s15] =	ssyncset.done $0x0;
	(pc) =	sbr.rel @p0 .LBB2_2-.Ltmp0, $4  }
0x27: {  	s19 =	sadd.s32 $0x6400, s20;
	[sflag:s15] =	ssyncadd.s32 $0xFFFFF800  }
0x28: {  	[spmem:s2] =	stream.indirect.scatter.add.f32 [tilespmem:s14], [sflag:$0x2], $0x10, s19, s13, $0xb8;
	[tilespmem:$0x19400] =	vst v63  }
0x29: {  	_ =	swait.ge [sflag:s9], $0x800  }
0x2a: {  	s19 =	smov.u32 s21;
	[sflag:s9] =	ssyncset.done $0x0  }
0x2b: {  	s18 =	sshra.s32 s18, $0x2;
	[sflag:s9] =	ssyncadd.s32 $0xFFFFF800  }
0x2c: {  	[tilespmem:s14], [sflag:$0x1] =	stream.indirect.gather [hbm4b:s4+s13], $0x10, s18, s13, $0xb8;
	[tilespmem:$0x19400] =	vst v63  }
0x2d: {  	_ =	swait.ge [sflag:s15], $0x800  }
0x2e: {  	[sflag:s15] =	ssyncset.done $0x0  }
0x2f: {  	s18 =	sadd.s32 $0x6400, s18;
	[sflag:s15] =	ssyncadd.s32 $0xFFFFF800  }
0x30: {  	[spmem:s2] =	stream.indirect.scatter.add.f32 [tilespmem:s14], [sflag:$0x2], $0x10, s18, s13, $0xb8;
	[tilespmem:$0x19400] =	vst v63  }
0x31: {  	_ =	swait.ge [sflag:s9], $0x800  }
0x32: {  	s17 =	sadd.s32 $0x1, s17;
	[sflag:s9] =	ssyncset.done $0x0  }
0x33: {  	p0 =	sne.s32 s17, s8;
	[sflag:s9] =	ssyncadd.s32 $0xFFFFF800  }
.Ltmp1:
0x34: {  	[bflag:$0x0] =	sbarrier.arrive $0xFFFF;
	(pc) =	sbr.rel @p0 .LBB2_1-.Ltmp1, $4  }
0x35: {  	[hbm:s16], [sflag:s11] =	dma.local [spmem:s12], $0x1880  }
0x36: {  	_ =	swait.ge [sflag:s9], $0x1880  }
0x37: {  	[sflag:s9] =	ssyncset.done $0x0  }
0x38: {  	[sflag:s9] =	ssyncadd.s32 $0xFFFFE780  }
0x39: {  	_ =	sfence.sel $0x180000  }
0x3a: {  	[bflag:$0x0] =	sbarrier.arrive $0xFFFF  }
0x3b: {  	p0 =	sne.s32 s0, $0x0;
	_ =	strace $0x90000047  }
0x3c: {  	s0 =	sadd.s32 @!p0 $0x100000, s1;
	[bflag:$0x2] =	sbarrier.arrive $0xFFFF  }
0x3d: {  	[sflag:s0] =	ssyncadd.tile.s32 @!p0 $0x1;
	_ =	shalt  }
.Lfunc_end2:
_tile_overlayer_lowered:
.L_overlay_start_2:
0x3e: {  	(tag) =	ssettag $0x2  }
0x3f: {  	s0 =	rddreg [dreg:$0x0];
	s2 =	stileid.u32  }
0x40: {  	s1 =	rddreg [dreg:$0x1];
	p0 =	sne.s32 s2, $0x0  }
0x41: {  	s3 =	rddreg [dreg:$0x2];
	[bflag:$0x3] =	sbarrier.arrive $0xFFFF;
	s2 =	simm.s32 @!p0 $0x1C02  }
0x42: {  	[timem:s3], [sflag:s2] =	dma.local @!p0 [hbm:s0], s1  }
0x43: {  	s0 =	simm.s32 @!p0 $0x2  }
0x44: {  	_ =	swait.ge @!p0 [sflag:s0], s1  }
0x45: {  	s1 =	ssub.s32 @!p0 $0x0, s1;
	[sflag:s0] =	ssyncset.done @!p0 $0x0  }
0x46: {  	[sflag:s0] =	ssyncadd.s32 @!p0 s1  }
0x47: {  	[bflag:$0x3] =	sbarrier.arrive $0xFFFF  }
0x48: {  	_ =	shalt  }

// kernel: kernel.9.cloned.1.call-start
scs
__scs_entry_jumppad:
0x0: {  	(pc) =	sbr.rel $0x88, $3  }
0x1: {  	(tag) =	ssettag $0x0;
	lr =	simm.s32 $0x1  }
0x2: {  	[smem:$0x3F94] =	sst lr;
	_ =	strace $0xD0000000  }
0x3: {  	_ = 	snop  }
0x4: {  	_ = 	snop  }
0x5: {  	_ = 	snop  }
0x6: {  	_ = 	snop  }
0x7: {  	_ = 	snop  }
__scs_overlays_trampoline_lowered:
0x8: {  	[smem:$0x3FA3] =	sst s0  }
0x9: {  	[smem:$0x3FA4] =	sst s1  }
0xa: {  	[smem:$0x3FA5] =	sst s2  }
0xb: {  	[smem:$0x3FA6] =	sst s3  }
0xc: {  	[smem:$0x3FA7] =	sst s4  }
0xd: {  	[smem:$0x3FA8] =	sst s5  }
0xe: {  	[smem:$0x3FA9] =	sst s6  }
0xf: {  	[smem:$0x3FAA] =	sst s7  }
0x10: {  	[smem:$0x3FAB] =	sst s8  }
0x11: {  	[smem:$0x3FAC] =	sst s9;
	s0 =	simm.s32 @!p0 $0x0  }
0x12: {  	s1 =	sld [smem:$0x3F92];
	s0 =	simm.s32 @p0 $0x1  }
0x13: {  	[smem:$0x3FAD] =	sst s0;
	s0 =	simm.s32 @!p1 $0x0  }
0x14: {  	s2 =	sld [smem:$0x3F91];
	s0 =	simm.s32 @p1 $0x1  }
0x15: {  	[smem:$0x3FAE] =	sst s0;
	s0 =	simm.s32 @!p2 $0x0  }
0x16: {  	s3 =	sld [smem:$0x3FDB];
	s0 =	simm.s32 @p2 $0x1  }
0x17: {  	s4 =	simm.s32 $0x1BF5;
	[smem:$0x3FB0] =	sst s0  }
0x18: {  	s0 =	sld [smem:$0x3F93];
	_ =	swait.ge [sflag:s4], $0x0  }
0x19: {  	s7 =	sld [smem:$0x3F94]  }
0x1a: {  	s8 =	sadd.s32 $0xFFFFE003, lr  }
0x1b: {  	s9 =	sadd.s32 $0xFFFFFEF7, lr;
	s5 =	simm.s32 $0xFFFFFFFF;
	p2 =	slt.u32 s8, $0xFFFFF086  }
0x1c: {  	p1 =	slt.u32 s9, $0xF7A;
	s5 =	simm.s32 @!p2 $0x0  }
0x1d: {  	s5 =	simm.s32 @p1 $0x1;
	p0 =	seq.s32 s7, s2  }
0x1e: {  	s7 =	smul.u32 @!p0 $0xF7A, s2;
	p2 =	seq.s32 @!p0 s5, $0x0  }
0x1f: {  	s9 =	smul.u32 $0xF7A, s1;
	s8 =	simm.s32 @!p0 $0x1BF5;
	p2 =	por !p2, p0  }
0x20: {  	[sflag:s8] =	ssyncset.s32 @!p0 $0xFFFFF086;
	s6 =	sadd.s32 @!p0 s3, s7;
	s7 =	simm.s32 @!p0 $0x108  }
0x21: {  	s3 =	sadd.s32 s3, s9;
	s6 =	sadd.s32 @!p0 $0x88, s6;
	s7 =	simm.s32 @p2 $0x1082  }
0x22: {  	[simem:s7], [sflag:s8] =	dma.local @!p0 [hbm:s6], $0xF7A  }
0x23: {  	s9 =	sor.u32 $0xD0000000, s2;
	s6 =	simm.s32 $0x108;
	_ =	swait.ge @!p0 [sflag:s8], $0x0  }
0x24: {  	s3 =	sadd.s32 $0x88, s3;
	s6 =	simm.s32 @!p1 $0x1082;
	[sflag:s4] =	ssyncset.s32 $0xFFFFF086  }
0x25: {  	[simem:s6], [sflag:s4] =	dma.local [hbm:s3], $0xF7A  }
0x26: {  	[smem:$0x3F94] =	sst s1;
	(tag) =	ssettag s2;
	_ =	strace s9  }
0x27: {  	s1 =	sld [smem:$0x3FA4]  }
0x28: {  	s2 =	sld [smem:$0x3FA5]  }
0x29: {  	s4 =	sld [smem:$0x3FA7]  }
0x2a: {  	p0 =	seq.s32 s5, $0x0;
	s5 =	sld [smem:$0x3FA8]  }
0x2b: {  	s6 =	sld [smem:$0x3FA9]  }
0x2c: {  	s7 =	sld [smem:$0x3FAA]  }
0x2d: {  	s3 =	simm.s32 $0x108;
	s8 =	sld [smem:$0x3FAB]  }
0x2e: {  	s3 =	simm.s32 @!p0 $0x1082;
	s9 =	sld [smem:$0x3FAC]  }
0x2f: {  	lr =	sadd.s32 s0, s3;
	s0 =	sld [smem:$0x3FA3]  }
0x30: {  	s3 =	sld [smem:$0x3FA6]  }
0x31: {  	[smem:$0x3FAF] =	sst s10  }
0x32: {  	s10 =	sld [smem:$0x3FAD];
	_ =	sdelay $0x3  }
0x33: {  	p0 =	seq.s32 s10, $0x1;
	s10 =	sld [smem:$0x3FAF];
	_ =	sdelay $0x3  }
0x34: {  	[smem:$0x3FAF] =	sst s10  }
0x35: {  	s10 =	sld [smem:$0x3FAE];
	_ =	sdelay $0x3  }
0x36: {  	p1 =	seq.s32 s10, $0x1;
	s10 =	sld [smem:$0x3FAF];
	_ =	sdelay $0x3  }
0x37: {  	[smem:$0x3FAF] =	sst s10  }
0x38: {  	s10 =	sld [smem:$0x3FB0]  }
0x39: {  	_ = 	snop;
	(pc) =	sbr.ind lr, $3  }
0x3a: {  	_ = 	snop  }
0x3b: {  	_ = 	snop  }
0x3c: {  	p2 =	seq.s32 s10, $0x1;
	s10 =	sld [smem:$0x3FAF]  }
0x3d: {  	_ =	shalt  }
0x3e: {  	_ =	shalt  }
0x3f: {  	_ =	shalt  }
0x40: {  	_ =	shalt  }
0x41: {  	_ =	shalt  }
0x42: {  	_ =	shalt  }
0x43: {  	_ =	shalt  }
0x44: {  	_ =	shalt  }
0x45: {  	_ =	shalt  }
0x46: {  	_ =	shalt  }
0x47: {  	_ =	shalt  }
0x48: {  	_ =	shalt  }
0x49: {  	_ =	shalt  }
0x4a: {  	_ =	shalt  }
0x4b: {  	_ =	shalt  }
0x4c: {  	_ =	shalt  }
0x4d: {  	_ =	shalt  }
0x4e: {  	_ =	shalt  }
0x4f: {  	_ =	shalt  }
0x50: {  	_ =	shalt  }
0x51: {  	_ =	shalt  }
0x52: {  	_ =	shalt  }
0x53: {  	_ =	shalt  }
0x54: {  	_ =	shalt  }
0x55: {  	_ =	shalt  }
0x56: {  	_ =	shalt  }
0x57: {  	_ =	shalt  }
0x58: {  	_ =	shalt  }
0x59: {  	_ =	shalt  }
0x5a: {  	_ =	shalt  }
0x5b: {  	_ =	shalt  }
0x5c: {  	_ =	shalt  }
0x5d: {  	_ =	shalt  }
0x5e: {  	_ =	shalt  }
0x5f: {  	_ =	shalt  }
0x60: {  	_ =	shalt  }
0x61: {  	_ =	shalt  }
0x62: {  	_ =	shalt  }
0x63: {  	_ =	shalt  }
0x64: {  	_ =	shalt  }
0x65: {  	_ =	shalt  }
0x66: {  	_ =	shalt  }
0x67: {  	_ =	shalt  }
0x68: {  	_ =	shalt  }
0x69: {  	_ =	shalt  }
0x6a: {  	_ =	shalt  }
0x6b: {  	_ =	shalt  }
0x6c: {  	_ =	shalt  }
0x6d: {  	_ =	shalt  }
0x6e: {  	_ =	shalt  }
0x6f: {  	_ =	shalt  }
0x70: {  	_ =	shalt  }
0x71: {  	_ =	shalt  }
0x72: {  	_ =	shalt  }
0x73: {  	_ =	shalt  }
0x74: {  	_ =	shalt  }
0x75: {  	_ =	shalt  }
0x76: {  	_ =	shalt  }
0x77: {  	_ =	shalt  }
0x78: {  	_ =	shalt  }
0x79: {  	_ =	shalt  }
0x7a: {  	_ =	shalt  }
0x7b: {  	_ =	shalt  }
0x7c: {  	_ =	shalt  }
0x7d: {  	_ =	shalt  }
0x7e: {  	_ =	shalt  }
0x7f: {  	_ =	shalt  }
0x80: {  	_ =	shalt  }
0x81: {  	_ =	shalt  }
0x82: {  	_ =	shalt  }
0x83: {  	_ =	shalt  }
0x84: {  	_ =	shalt  }
0x85: {  	_ =	shalt  }
0x86: {  	_ =	shalt  }
0x87: {  	_ =	shalt  }
.Lfunc_end0:
.L_simem_size_0:
called_computation.1_lowered:
.L_overlay_start_0:
0x88: {  	s2 =	sld [smem:$0x3FD9]  }
0x89: {  	s3 =	sld [smem:$0x3FFE];
	_ =	sdelay $0x1  }
0x8a: {  	s1 =	srdreg.scid  }
0x8b: {  	s0 =	sand.u32 $0x1, s1  }
0x8c: {  	s16 =	sshll.u32 s0, $0xA;
	s2 =	sadd.s32 s3, s2  }
0x8d: {  	s2 =	sadd.s32 s2, s16  }
0x8e: {  	[smem:$0x3FBB] =	sst s2  }
0x8f: {  	_ = 	snop  }
0x90: {  	(tm) =	ssettm $0x1  }
0x91: {  	s17 =	sld [smem:$0x3FFB];
	_ =	sdelay $0x3  }
0x92: {  	_ =	strace s17  }
0x93: {  	s2 =	sld [smem:$0x3FFC];
	_ =	sdelay $0x3  }
0x94: {  	_ =	strace s2  }
0x95: {  	s2 =	sld [smem:$0x3FFD];
	_ =	sdelay $0x3  }
0x96: {  	_ =	strace s2  }
0x97: {  	_ =	strace $0x8FFFFFFF  }
0x98: {  	s18 =	sld [smem:$0x3FDB];
	_ =	sdelay $0x1  }
0x99: {  	s19 =	simm.s32 $_scs_section_size  }
0x9a: {  	s4 =	simm.s32 $_size__tile_overlayer_lowered;
	s5 =	simm.s32 $_tile_overlayer_lowered  }
0x9b: {  	s22 =	simm.s32 $0x1BFF;
	s21 =	sshll.u32 s5, $0x1;
	s2 =	sadd.s32 s19, s18  }
0x9c: {  	s6 =	simm.s32 $0x0;
	s20 =	sshll.u32 s4, $0x1;
	s4 =	sadd.s32 s21, s2  }
0x9d: {  	[timem:s6], [sflag:s22] =	dma.local [hbm:s4], s20  }
0x9e: {  	_ =	swait.ge [sflag:s22], s20  }
0x9f: {  	s3 =	ssub.s32 $0x0, s20;
	[sflag:s22] =	ssyncset.done $0x0  }
0xa0: {  	[sflag:s22] =	ssyncadd.s32 s3;
	_ =	sdelay $0x1  }
0xa1: {  	s23 =	simm.s32 $0x1B8B  }
0xa2: {  	_ =	swait.ge [sflag:s23], $0x1  }
0xa3: {  	[sflag:s23] =	ssyncset.done $0x0  }
0xa4: {  	s25 =	simm.s32 $0x1B8E;
	s24 =	sld [smem:$0x3FFE];
	[sflag:s23] =	ssyncadd.s32 $0xFFFFFFFF  }
0xa5: {  	s26 =	simm.s32 $execute0_lowered;
	[smem:$0x3FD2] =	sst s25  }
0xa6: {  	s4 =	sshll.u32 s26, $0x1;
	_ =	strace $0x80000049;
	[dreg:$0x1] =	wrdreg $0xFFFFFFFF  }
0xa7: {  	s28 =	simm.s32 $_size_execute0_lowered;
	s2 =	sadd.s32 s2, s4;
	[dreg:$0x0] =	wrdreg $0x0  }
0xa8: {  	s4 =	sshll.u32 s28, $0x1;
	[dreg:$0x2] =	wrdreg s2  }
0xa9: {  	[dreg:$0x3] =	wrdreg s4  }
0xaa: {  	[dreg:$0x4] =	wrdreg $0xC0  }
0xab: {  	_ =	task [dreg:s6], $0x5FFFF  }
0xac: {  	[dreg:$0x1] =	wrdreg $0xFFFFFFFF  }
0xad: {  	[dreg:$0x0] =	wrdreg $0x60  }
0xae: {  	[dreg:$0x2] =	wrdreg s24  }
0xaf: {  	[dreg:$0x3] =	wrdreg $0x194000  }
0xb0: {  	[dreg:$0x4] =	wrdreg $0x9  }
0xb1: {  	_ =	task.clear_ibuf [dreg:s6], $0x5FFFF;
	_ =	strace $0x90000049  }
0xb2: {  	s29 =	simm.s32 $0x9;
	_ =	strace $0x8000004B  }
0xb3: {  	_ =	swait.ge [sflag:s29], $0x1  }
0xb4: {  	[sflag:s29] =	ssyncadd.s32 $0xFFFFFFFF  }
0xb5: {  	_ =	strace $0x9000004B  }
0xb6: {  	_ =	sfence  }
0xb7: {  	s30 =	sld [smem:$0x0];
	_ =	sdelay $0x2  }
0xb8: {  	s31 =	sshll.u32 s1, $0xD;
	s1 =	sshrl.u32 s1, $0x2  }
0xb9: {  	s3 =	sand.u32 $0x4000, s31;
	s1 =	sadd.s32 s1, s30  }
0xba: {  	s0 =	sor.u32 s3, s0;
	s1 =	sshll.u32 s1, $0x11  }
0xbb: {  	s0 =	sor.u32 s1, s0  }
0xbc: {  	s0 =	sadd.s32 $0x8F2B, s0  }
0xbd: {  	[sflag:s0] =	ssyncadd.remote.s32 $0x1  }
0xbe: {  	_ =	sfence.sel $0xFFFF  }
0xbf: {  	[dreg:$0x0] =	wrdreg $0xFFFFFFFF;
	(pc) =	sbr.abs _section_cstart, $3  }
0xc0: {  	[dreg:$0x1] =	wrdreg $0xFFFFFFFF  }
0xc1: {  	_ =	task.clear_ibuf [dreg:s6], $0x2FFFF;
	_ =	strace $0x9FFFFFFF  }
0xc2: {  	(tm) =	ssettm $0x7FFFFFFF  }
0xc3: {  	_ =	shalt  }
tec
execute0_lowered:
.L_overlay_start_1:
0x0: {  	(tag) =	ssettag $0x1  }
0x1: {  	s8 =	rddreg [dreg:$0x0]  }
0x2: {  	s1 =	rddreg [dreg:$0x1]  }
0x3: {  	s0 =	rddreg [dreg:$0x2]  }
0x4: {  	s3 =	simm.s32 $0x0;
	s2 =	stileid.u32;
	s6 =	srdreg.scid  }
0x5: {  	s16 =	simm.s32 $0x80;
	s17 =	simm.s32 $0x19000;
	s18 =	simm.s32 $0x1  }
0x6: {  	[smem:$0x7FF] =	sst s3;
	s4 =	sadd.s32 $0x7E200, s8;
	s5 =	sadd.s32 $0x303200, s8  }
0x7: {  	s9 =	smul.u32 $0xC40, s2;
	s10 =	sand.u32 $0x1, s6;
	s6 =	sadd.s32 $0x493200, s8  }
0x8: {  	s12 =	smul.u32 $0x18800, s2;
	s7 =	sadd.s32 $0x2FB200, s8;
	s14 =	sshll.u32 s2, $0x6  }
0x9: {  	_ =	strace $0x8000004A;
	s11 =	ssub.s32 $0x2, s10;
	s14 =	sor.u32 $0x1C02, s14  }
0xa: {  	s13 =	sadd.s32 s9, s8;
	s30 =	sshrl.u32 s11, $0x1;
	s8 =	sshll.u32 s10, $0x3  }
0xb: {  	s31 =	sshrl.u32 s12, $0x2;
	s9 =	smul.u32 $0x190, s2;
	s12 =	simm.s32 $0x2  }
0xc: {  	s11 =	ssub.s32 s11, s30;
	s15 =	sadd.s32 s31, s1;
	s10 =	sadd.s32 $0x623200, s13  }
0xd: {  	s13 =	simm.s32 $0xC800;
	s11 =	smax.u32 s11, $0x1;
	s15 =	sshrl.u32 s15, $0x3  }
.LBB2_1:
0xe: {  	s19 =	simm.s32 $0x0  }
.LBB2_2:
0xf: {  	s20 =	sadd.s32 s8, s19  }
0x10: {  	s21 =	smul.u32 $0x1900, s20;
	_ =	sdelay $0x1  }
0x11: {  	s21 =	sadd.s32 s9, s21  }
0x12: {  	s21 =	sshll.u32 s21, $0x4  }
0x13: {  	s23 =	simm.s32 $0x0;
	s22 =	sadd.s32 s5, s21  }
0x14: {  	[tilespmem:s23], [sflag:$0x2] =	stream.linear.gather [hbm4b:s22+s23], $0xC800, $0x38;
	[tilespmem:$0x1F600] =	vst v63  }
0x15: {  	_ =	swait.ge [sflag:s12], $0xC800  }
0x16: {  	[sflag:s12] =	ssyncset.done $0x0  }
0x17: {  	s21 =	sadd.s32 s6, s21;
	[sflag:s12] =	ssyncadd.s32 $0xFFFF3800  }
0x18: {  	[tilespmem:s13], [sflag:$0x2] =	stream.linear.gather [hbm4b:s21+s23], $0xC800, $0x38;
	[tilespmem:$0x1F600] =	vst v63  }
0x19: {  	_ =	swait.ge [sflag:s12], $0xC800  }
0x1a: {  	[sflag:s12] =	ssyncset.done $0x0  }
0x1b: {  	[sflag:s12] =	ssyncadd.s32 $0xFFFF3800  }
0x1c: {  	[spmem:s15], [sflag:s14] =	dma.local [hbm:s7], $0xC40  }
0x1d: {  	_ =	swait.ge [sflag:s12], $0xC40  }
0x1e: {  	[sflag:s12] =	ssyncset.done $0x0  }
0x1f: {  	[sflag:s12] =	ssyncadd.s32 $0xFFFFF3C0  }
0x20: {  	s30 =	simm.s32 $0x0;
	[bflag:$0x0] =	sbarrier.arrive $0xFFFF  }
0x21: {  	[tilespmem:s17], [sflag:$0x1] =	stream.indirect.gather [hbm4b:s4+s16], $0x8, s30, s16, $0xb8;
	[tilespmem:$0x1F600] =	vst v63  }
0x22: {  	_ =	swait.ge [sflag:s18], $0x400  }
0x23: {  	[sflag:s18] =	ssyncset.done $0x0  }
0x24: {  	s31 =	simm.s32 $0xC800;
	[sflag:s18] =	ssyncadd.s32 $0xFFFFFC00  }
0x25: {  	[spmem:s1] =	stream.indirect.scatter.add.f32 [tilespmem:s17], [sflag:$0x2], $0x8, s31, s16, $0xb8;
	[tilespmem:$0x1F600] =	vst v63  }
0x26: {  	_ =	swait.ge [sflag:s12], $0x400  }
0x27: {  	s22 =	simm.s32 $0x400;
	s21 =	simm.s32 $0x200;
	[sflag:s12] =	ssyncset.done $0x0  }
.LBB2_3:
0x28: {  	s23 =	sshra.s32 s21, $0x2  }
0x29: {  	[sflag:s12] =	ssyncadd.s32 $0xFFFFFC00;
	s21 =	smov.u32 s22;
	s24 =	sadd.s32 $0x200, s22  }
0x2a: {  	[tilespmem:s17], [sflag:$0x1] =	stream.indirect.gather [hbm4b:s4+s16], $0x8, s23, s16, $0xb8;
	[tilespmem:$0x1F600] =	vst v63  }
0x2b: {  	p0 =	sne.s32 s22, $0x31E00;
	_ =	swait.ge [sflag:s18], $0x400  }
.Ltmp0:
0x2c: {  	[sflag:s18] =	ssyncset.done $0x0;
	(pc) =	sbr.rel @p0 .LBB2_3-.Ltmp0, $4  }
0x2d: {  	s22 =	sadd.s32 $0xC800, s23;
	[sflag:s18] =	ssyncadd.s32 $0xFFFFFC00  }
0x2e: {  	[spmem:s1] =	stream.indirect.scatter.add.f32 [tilespmem:s17], [sflag:$0x2], $0x8, s22, s16, $0xb8;
	[tilespmem:$0x1F600] =	vst v63  }
0x2f: {  	_ =	swait.ge [sflag:s12], $0x400  }
0x30: {  	s22 =	smov.u32 s24;
	[sflag:s12] =	ssyncset.done $0x0  }
0x31: {  	s21 =	sshra.s32 s21, $0x2;
	[sflag:s12] =	ssyncadd.s32 $0xFFFFFC00  }
0x32: {  	[tilespmem:s17], [sflag:$0x1] =	stream.indirect.gather [hbm4b:s4+s16], $0x8, s21, s16, $0xb8;
	[tilespmem:$0x1F600] =	vst v63  }
0x33: {  	_ =	swait.ge [sflag:s18], $0x400  }
0x34: {  	[sflag:s18] =	ssyncset.done $0x0  }
0x35: {  	s21 =	sadd.s32 $0xC800, s21;
	[sflag:s18] =	ssyncadd.s32 $0xFFFFFC00  }
0x36: {  	[spmem:s1] =	stream.indirect.scatter.add.f32 [tilespmem:s17], [sflag:$0x2], $0x8, s21, s16, $0xb8;
	[tilespmem:$0x1F600] =	vst v63  }
0x37: {  	_ =	swait.ge [sflag:s12], $0x400  }
0x38: {  	s20 =	smul.u32 $0xC400, s20;
	[sflag:s12] =	ssyncset.done $0x0  }
0x39: {  	s19 =	sadd.s32 $0x1, s19;
	[sflag:s12] =	ssyncadd.s32 $0xFFFFFC00  }
0x3a: {  	p0 =	sne.s32 s19, $0x8;
	s20 =	sadd.s32 s20, s10;
	[bflag:$0x0] =	sbarrier.arrive $0xFFFF  }
0x3b: {  	[hbm:s20], [sflag:s14] =	dma.local [spmem:s15], $0xC40  }
.Ltmp1:
0x3c: {  	_ =	swait.ge [sflag:s12], $0xC40;
	(pc) =	sbr.rel @p0 .LBB2_2-.Ltmp1, $3  }
0x3d: {  	[sflag:s12] =	ssyncset.done $0x0  }
0x3e: {  	[sflag:s12] =	ssyncadd.s32 $0xFFFFF3C0  }
0x3f: {  	[bflag:$0x0] =	sbarrier.arrive $0xFFFF;
	_ =	sdelay $0x1  }
0x40: {  	s3 =	sadd.s32 $0x1, s3  }
0x41: {  	p0 =	sne.s32 s3, s11  }
.Ltmp2:
0x42: {  	_ = 	snop;
	(pc) =	sbr.rel @p0 .LBB2_1-.Ltmp2, $1  }
0x43: {  	_ =	sdelay $0x3  }
0x44: {  	_ =	sfence.sel $0x180000  }
0x45: {  	[bflag:$0x0] =	sbarrier.arrive $0xFFFF  }
0x46: {  	p0 =	sne.s32 s2, $0x0;
	_ =	strace $0x9000004A  }
0x47: {  	s0 =	sadd.s32 @!p0 $0x100000, s0;
	[bflag:$0x2] =	sbarrier.arrive $0xFFFF  }
0x48: {  	[sflag:s0] =	ssyncadd.tile.s32 @!p0 $0x1;
	_ =	shalt  }
.Lfunc_end2:
_tile_overlayer_lowered:
.L_overlay_start_2:
0x49: {  	(tag) =	ssettag $0x2  }
0x4a: {  	s0 =	rddreg [dreg:$0x0];
	s2 =	stileid.u32  }
0x4b: {  	s1 =	rddreg [dreg:$0x1];
	p0 =	sne.s32 s2, $0x0  }
0x4c: {  	s3 =	rddreg [dreg:$0x2];
	[bflag:$0x3] =	sbarrier.arrive $0xFFFF;
	s2 =	simm.s32 @!p0 $0x1C02  }
0x4d: {  	[timem:s3], [sflag:s2] =	dma.local @!p0 [hbm:s0], s1  }
0x4e: {  	s0 =	simm.s32 @!p0 $0x2  }
0x4f: {  	_ =	swait.ge @!p0 [sflag:s0], s1  }
0x50: {  	s1 =	ssub.s32 @!p0 $0x0, s1;
	[sflag:s0] =	ssyncset.done @!p0 $0x0  }
0x51: {  	[sflag:s0] =	ssyncadd.s32 @!p0 s1  }
0x52: {  	[bflag:$0x3] =	sbarrier.arrive $0xFFFF  }
0x53: {  	_ =	shalt  }

</sc_bundles>
